<compile_context>
chip_gen: v7x
topology: tpu7x:2x2x1
jax: 0.10.2.dev20260603
libtpu: 0.0.44.dev20260713+nightly
codegen_flags: <defaults>
</compile_context>

<pallas_src>
import functools

import jax
import jax.numpy as jnp
from jax import lax
from jax.experimental import pallas as pl
from jax.experimental.pallas import tpu as pltpu
from jax.experimental.pallas import tpu_sc as plsc

_N = 10000
_NP = 10240
_DD = 128
_NC = 2
_NS = 16
_NW = _NC * _NS
_CH = 80
_BM = 1024


def _vec_mesh():
    return plsc.VectorSubcoreMesh(core_axis_name="c", subcore_axis_name="s")


def _make_segsum(E, with_count):
    ew = E // _NW
    nch = ew // _CH
    rp = _NP // _NS

    out_type = [jax.ShapeDtypeStruct((_NC, _NP, _DD), jnp.float32)]
    scratch = [
        pltpu.VMEM((_CH,), jnp.int32),
        pltpu.VMEM((_CH,), jnp.int32),
        pltpu.VMEM((_CH, _DD), jnp.float32),
        pltpu.VMEM_SHARED((_NP, _DD), jnp.float32),
        pltpu.SemaphoreType.DMA,
    ]
    if with_count:
        out_type.append(jax.ShapeDtypeStruct((_NC, _NP), jnp.float32))
        scratch = ([pltpu.VMEM((_CH,), jnp.float32),
                    pltpu.VMEM_SHARED((_NP,), jnp.float32)] + scratch)

    def body(tab, srch, dsth, zrows, zcnt, *rest):
        if with_count:
            (aggo, cnto, onesv, cntsh, srcv, dstv, rows, aggsh, sem) = rest
        else:
            (aggo, srcv, dstv, rows, aggsh, sem) = rest
        c = lax.axis_index("c")
        s = lax.axis_index("s")
        wid = c * _NS + s
        pltpu.sync_copy(zrows.at[pl.ds(s * rp, rp)], aggsh.at[pl.ds(s * rp, rp)])
        if with_count:
            pltpu.sync_copy(zcnt.at[pl.ds(s * rp, rp)], cntsh.at[pl.ds(s * rp, rp)])

            @pl.loop(0, _CH, step=16)
            def _(i):
                onesv[pl.ds(i, 16)] = jnp.ones((16,), jnp.float32)

        plsc.subcore_barrier()

        base0 = wid * ew

        @pl.loop(0, nch)
        def _(k):
            b = base0 + k * _CH
            pltpu.sync_copy(srch.at[pl.ds(b, _CH)], srcv)
            pltpu.sync_copy(dsth.at[pl.ds(b, _CH)], dstv)
            pltpu.async_copy(tab.at[srcv], rows, sem).wait()
            pltpu.sync_copy(rows, aggsh.at[dstv], add=True)
            if with_count:
                pltpu.sync_copy(onesv, cntsh.at[dstv], add=True)

        plsc.subcore_barrier()
        pltpu.sync_copy(aggsh.at[pl.ds(s * rp, rp)],
                        aggo.at[c].at[pl.ds(s * rp, rp)])
        if with_count:
            pltpu.sync_copy(cntsh.at[pl.ds(s * rp, rp)],
                            cnto.at[c].at[pl.ds(s * rp, rp)])

    return pl.kernel(body, out_type=out_type, mesh=_vec_mesh(),
                     scratch_types=scratch)


def _layer1_body(x_ref, agg_ref, cnt_ref, wlT_ref, bl_ref, wrT_ref,
                 h_ref, inv_ref):
    cnt = cnt_ref[:, 0:1] + cnt_ref[:, 1:2]
    inv = 1.0 / jnp.maximum(cnt, 1.0)
    mean = (agg_ref[0] + agg_ref[1]) * inv
    acc = (jnp.dot(mean, wlT_ref[...], preferred_element_type=jnp.float32,
                   precision=lax.Precision.HIGHEST)
           + jnp.dot(x_ref[...], wrT_ref[...], preferred_element_type=jnp.float32,
                     precision=lax.Precision.HIGHEST)
           + bl_ref[...])
    h_ref[...] = jnp.maximum(acc, 0.0)
    inv_ref[...] = jnp.broadcast_to(inv, (inv.shape[0], _DD))


def _layer1_tc(xp, aggp, cnt_t, wlT, bl2, wrT):
    grid = (_NP // _BM,)
    return pl.pallas_call(
        _layer1_body,
        grid=grid,
        in_specs=[
            pl.BlockSpec((_BM, _DD), lambda i: (i, 0)),
            pl.BlockSpec((_NC, _BM, _DD), lambda i: (0, i, 0)),
            pl.BlockSpec((_BM, _NC), lambda i: (i, 0)),
            pl.BlockSpec((_DD, _DD), lambda i: (0, 0)),
            pl.BlockSpec((1, _DD), lambda i: (0, 0)),
            pl.BlockSpec((_DD, _DD), lambda i: (0, 0)),
        ],
        out_specs=[
            pl.BlockSpec((_BM, _DD), lambda i: (i, 0)),
            pl.BlockSpec((_BM, _DD), lambda i: (i, 0)),
        ],
        out_shape=[
            jax.ShapeDtypeStruct((_NP, _DD), jnp.float32),
            jax.ShapeDtypeStruct((_NP, _DD), jnp.float32),
        ],
    )(xp, aggp, cnt_t, wlT, bl2, wrT)


def _make_gather_sel(B):
    bw = B // _NW

    def body(h_hbm, a0_hbm, a1_hbm, inv_hbm, ni_hbm,
             hsel_o, a0_o, a1_o, inv_o, niv, rbuf, ibuf, sem):
        c = lax.axis_index("c")
        s = lax.axis_index("s")
        base = (c * _NS + s) * bw
        pltpu.sync_copy(ni_hbm.at[pl.ds(base, bw)], niv)
        pltpu.async_copy(h_hbm.at[niv], rbuf, sem).wait()
        pltpu.sync_copy(rbuf, hsel_o.at[pl.ds(base, bw)])
        pltpu.async_copy(a0_hbm.at[niv], rbuf, sem).wait()
        pltpu.sync_copy(rbuf, a0_o.at[pl.ds(base, bw)])
        pltpu.async_copy(a1_hbm.at[niv], rbuf, sem).wait()
        pltpu.sync_copy(rbuf, a1_o.at[pl.ds(base, bw)])
        pltpu.async_copy(inv_hbm.at[niv], ibuf, sem).wait()
        pltpu.sync_copy(ibuf, inv_o.at[pl.ds(base, bw)])

    return pl.kernel(
        body,
        out_type=[
            jax.ShapeDtypeStruct((B, _DD), jnp.float32),
            jax.ShapeDtypeStruct((B, _DD), jnp.float32),
            jax.ShapeDtypeStruct((B, _DD), jnp.float32),
            jax.ShapeDtypeStruct((B, _DD), jnp.float32),
        ],
        mesh=_vec_mesh(),
        scratch_types=[
            pltpu.VMEM((bw,), jnp.int32),
            pltpu.VMEM((bw, _DD), jnp.float32),
            pltpu.VMEM((bw, _DD), jnp.float32),
            pltpu.SemaphoreType.DMA,
        ],
    )


def _leaky(v, slope):
    return jnp.where(v > 0, v, slope * v)


def _head_body(hs_ref, a0_ref, a1_ref, inv_ref, ap_ref,
               w2lT_ref, b2l_ref, w2rT_ref, f1aT_ref, f1bT_ref, fb1_ref,
               f2T_ref, fb2_ref, f3T_ref, fb3_ref, out_ref):
    hp = lax.Precision.HIGHEST
    mean2 = (a0_ref[...] + a1_ref[...]) * inv_ref[:, 0:1]
    h2 = (jnp.dot(mean2, w2lT_ref[...], preferred_element_type=jnp.float32,
                  precision=hp)
          + jnp.dot(hs_ref[...], w2rT_ref[...], preferred_element_type=jnp.float32,
                    precision=hp)
          + b2l_ref[...])
    z = (jnp.dot(h2, f1aT_ref[...], preferred_element_type=jnp.float32,
                 precision=hp)
         + jnp.dot(ap_ref[...], f1bT_ref[...], preferred_element_type=jnp.float32,
                   precision=hp)
         + fb1_ref[...])
    z = _leaky(z, 0.1)
    z = jnp.dot(z, f2T_ref[...], preferred_element_type=jnp.float32,
                precision=hp) + fb2_ref[...]
    z = _leaky(z, 0.05)
    z = jnp.dot(z, f3T_ref[...], preferred_element_type=jnp.float32,
                precision=hp) + fb3_ref[...]
    out_ref[...] = z


def _head_tc(B, hsel, a0s, a1s, invs, apart_p, w2lT, b2l2, w2rT,
             f1aT, f1bT, fb12, f2T, fb22, f3T, fb32):
    return pl.pallas_call(
        _head_body,
        out_shape=jax.ShapeDtypeStruct((B, 1), jnp.float32),
    )(hsel, a0s, a1s, invs, apart_p, w2lT, b2l2, w2rT,
      f1aT, f1bT, fb12, f2T, fb22, f3T, fb32)


def kernel(x, edge_index, node_idx, apart_feature, W1l, b1l, W1r,
           W2l, b2l, W2r, fW1, fb1, fW2, fb2, fW3, fb3):
    f32 = jnp.float32
    E = edge_index.shape[1]
    B = node_idx.shape[0]
    AP = apart_feature.shape[1]

    src = edge_index[0]
    dst = edge_index[1]
    xp = jnp.zeros((_NP, _DD), f32).at[:_N].set(x)
    zrows = jnp.zeros((_NP, _DD), f32)
    zcnt = jnp.zeros((_NP,), f32)

    aggp, cntp = _make_segsum(E, True)(xp, src, dst, zrows, zcnt)
    cnt_t = cntp.T

    h, inv16 = _layer1_tc(xp, aggp, cnt_t, W1l.T, b1l.reshape(1, -1), W1r.T)

    agg2p, = _make_segsum(E, False)(h, src, dst, zrows, zcnt)
    a20 = agg2p[0]
    a21 = agg2p[1]

    hsel, a0s, a1s, invs = _make_gather_sel(B)(h, a20, a21, inv16, node_idx)

    apart_p = jnp.pad(apart_feature, ((0, 0), (0, _DD - AP)))
    f1bT = jnp.pad(fW1[:, _DD:], ((0, 0), (0, _DD - AP))).T
    z = _head_tc(B, hsel, a0s, a1s, invs, apart_p,
                 W2l.T, b2l.reshape(1, -1), W2r.T,
                 fW1[:, :_DD].T, f1bT, fb1.reshape(1, -1),
                 fW2.T, fb2.reshape(1, -1), fW3.T, fb3.reshape(1, 1))
    return z

# --- scband reference (transcript-rebuilt; emitter-appended) ---
"""Pipeline reference for scband-postal-graph-sage-78099685310578 (READ-ONLY COPY).

The authoritative reference and input builder live on the scoring server;
editing this copy changes nothing except your own understanding.
"""

import jax, jax.numpy as jnp
import numpy as np

N = 10000
E = 320000
D = 128
H = 128
H2 = 128
H3 = 64
B = 1024
AP = 10


def setup_inputs(seed: int = 0) -> dict:
    key = jax.random.key(seed)
    ks = jax.random.split(key, 20)
    x = jax.random.normal(ks[0], (N, D), dtype=jnp.float32)
    edge_index = jax.random.randint(ks[1], (2, E), 0, N, dtype=jnp.int32)
    node_idx = jax.random.randint(ks[2], (B,), 0, N, dtype=jnp.int32)
    apart_feature = jax.random.normal(ks[3], (B, AP), dtype=jnp.float32)
    s = 0.05
    params = {
        'W1l': jax.random.normal(ks[4], (H, D), dtype=jnp.float32) * s,
        'b1l': jnp.zeros((H,), dtype=jnp.float32),
        'W1r': jax.random.normal(ks[5], (H, D), dtype=jnp.float32) * s,
        'W2l': jax.random.normal(ks[6], (H, H), dtype=jnp.float32) * s,
        'b2l': jnp.zeros((H,), dtype=jnp.float32),
        'W2r': jax.random.normal(ks[7], (H, H), dtype=jnp.float32) * s,
        'fW1': jax.random.normal(ks[8], (H2, H + AP), dtype=jnp.float32) * s,
        'fb1': jnp.zeros((H2,), dtype=jnp.float32),
        'fW2': jax.random.normal(ks[9], (H3, H2), dtype=jnp.float32) * s,
        'fb2': jnp.zeros((H3,), dtype=jnp.float32),
        'fW3': jax.random.normal(ks[10], (1, H3), dtype=jnp.float32) * s,
        'fb3': jnp.zeros((1,), dtype=jnp.float32),
    }
    out = {'x': x, 'edge_index': edge_index, 'node_idx': node_idx, 'apart_feature': apart_feature}
    out.update(params)
    return out


def _sage(x, edge_index, Wl, bl, Wr):
    # PyG SAGEConv with mean aggregation: lin_l(mean_agg(x[src] -> dst)) + lin_r(x)
    src = edge_index[0]
    dst = edge_index[1]
    msg = jnp.take(x, src, axis=0)
    agg = jax.ops.segment_sum(msg, dst, num_segments=N)
    cnt = jax.ops.segment_sum(jnp.ones((msg.shape[0],), dtype=x.dtype), dst, num_segments=N)
    mean = agg / jnp.maximum(cnt, 1.0)[:, None]
    return mean @ Wl.T + bl + x @ Wr.T


def _leaky(x, slope):
    return jnp.where(x > 0, x, slope * x)


def reference(x, edge_index, node_idx, apart_feature, W1l, b1l, W1r, W2l, b2l, W2r, fW1, fb1, fW2, fb2, fW3, fb3):
    h = _sage(x, edge_index, W1l, b1l, W1r)
    h = jax.nn.relu(h)
    h = _sage(h, edge_index, W2l, b2l, W2r)
    z = jnp.concatenate([jnp.take(h, node_idx, axis=0), apart_feature.reshape(-1, AP)], axis=1)
    z = z @ fW1.T + fb1
    z = _leaky(z, 0.1)
    z = z @ fW2.T + fb2
    z = _leaky(z, 0.05)
    z = z @ fW3.T + fb3
    return z

if __name__ == "__main__":
    import jax
    _d = setup_inputs()
    print(jax.jit(kernel)(*tuple(_d.values())))

</pallas_src>

<mosaic_0001>
#map = affine_map<(d0, d1) -> (0, 0)>
#map1 = affine_map<(d0, d1) -> (0)>
#map2 = affine_map<(d0, d1) -> (0, 0, 0)>
module attributes {stable_mosaic.version = 14 : i64} {
  func.func @body(%arg0: i32, %arg1: i32, %arg2: memref<10240x128xf32, #tpu.memory_space<hbm>>, %arg3: memref<320000xi32, #tpu.memory_space<hbm>>, %arg4: memref<320000xi32, #tpu.memory_space<hbm>>, %arg5: memref<10240x128xf32, #tpu.memory_space<hbm>>, %arg6: memref<10240xf32, #tpu.memory_space<hbm>>, %arg7: memref<2x10240x128xf32, #tpu.memory_space<hbm>>, %arg8: memref<2x10240xf32, #tpu.memory_space<hbm>>, %arg9: memref<80xf32, #tpu.memory_space<vmem>>, %arg10: memref<10240xf32, #tpu.memory_space<vmem_shared>>, %arg11: memref<80xi32, #tpu.memory_space<vmem>>, %arg12: memref<80xi32, #tpu.memory_space<vmem>>, %arg13: memref<80x128xf32, #tpu.memory_space<vmem>>, %arg14: memref<10240x128xf32, #tpu.memory_space<vmem_shared>>, %arg15: memref<!tpu.dma_semaphore, #tpu.memory_space<semaphore_mem>>) attributes {dimension_semantics = [#tpu.dimension_semantics<core_parallel>, #tpu.dimension_semantics<subcore_parallel>], iteration_bounds = array<i64: 2, 16>, scalar_prefetch = 0 : i64, scratch_operands = 7 : i64, tpu.core_type = #tpu.core_type<sc_vector_subcore>, window_params = [{transform_indices = #map}, {transform_indices = #map1}, {transform_indices = #map1}, {transform_indices = #map}, {transform_indices = #map1}, {transform_indices = #map2}, {transform_indices = #map}]} {
    %mul3A = arith.constant 16 : i32
    %mul3A_0 = arith.muli %arg0, %mul3A : i32
    %add3A = arith.addi %mul3A_0, %arg1 : i32
    %mul3A_1 = arith.constant 640 : i32
    %mul3A_2 = arith.muli %arg1, %mul3A_1 : i32
    %mul3A_3 = arith.constant 640 : i32
    %mul3A_4 = arith.muli %arg1, %mul3A_3 : i32
    "tpu.region"() ({
      %run_scoped3A = tpu.sem_alloc : memref<!tpu.dma_semaphore, #tpu.memory_space<semaphore_mem>>
      %dma_start3A = arith.constant 0 : i32
      %dma_start3A_29 = tpu.memref_slice %arg14[%mul3A_4, %dma_start3A] : memref<10240x128xf32, #tpu.memory_space<vmem_shared>> -> memref<640x128xf32, #tpu.memory_space<vmem_shared>>
      %dma_start3A_30 = arith.constant 0 : i32
      %dma_start3A_31 = tpu.memref_slice %arg5[%mul3A_2, %dma_start3A_30] : memref<10240x128xf32, #tpu.memory_space<hbm>> -> memref<640x128xf32, #tpu.memory_space<hbm>>
      tpu.enqueue_dma source(%dma_start3A_31 : memref<640x128xf32, #tpu.memory_space<hbm>>) target(%dma_start3A_29 : memref<640x128xf32, #tpu.memory_space<vmem_shared>>) target_semaphore(%run_scoped3A : memref<!tpu.dma_semaphore, #tpu.memory_space<semaphore_mem>>)
      %dma_wait3A = arith.constant 0 : i32
      %dma_wait3A_32 = tpu.memref_slice %arg14[%mul3A_4, %dma_wait3A] : memref<10240x128xf32, #tpu.memory_space<vmem_shared>> -> memref<640x128xf32, #tpu.memory_space<vmem_shared>>
      %dma_wait3A_33 = arith.constant 0 : i32
      %dma_wait3A_34 = tpu.memref_slice %arg5[%mul3A_2, %dma_wait3A_33] : memref<10240x128xf32, #tpu.memory_space<hbm>> -> memref<640x128xf32, #tpu.memory_space<hbm>>
      tpu.wait_dma2 semaphore(%run_scoped3A : memref<!tpu.dma_semaphore, #tpu.memory_space<semaphore_mem>>) src(%dma_wait3A_34 : memref<640x128xf32, #tpu.memory_space<hbm>>) dst(%dma_wait3A_32 : memref<640x128xf32, #tpu.memory_space<vmem_shared>>)
      tpu.yield
    }) : () -> ()
    %mul3A_5 = arith.constant 640 : i32
    %mul3A_6 = arith.muli %arg1, %mul3A_5 : i32
    %mul3A_7 = arith.constant 640 : i32
    %mul3A_8 = arith.muli %arg1, %mul3A_7 : i32
    "tpu.region"() ({
      %run_scoped3A = tpu.sem_alloc : memref<!tpu.dma_semaphore, #tpu.memory_space<semaphore_mem>>
      %dma_start3A = tpu.memref_slice %arg10[%mul3A_8] : memref<10240xf32, #tpu.memory_space<vmem_shared>> -> memref<640xf32, #tpu.memory_space<vmem_shared>>
      %dma_start3A_29 = tpu.memref_slice %arg6[%mul3A_6] : memref<10240xf32, #tpu.memory_space<hbm>> -> memref<640xf32, #tpu.memory_space<hbm>>
      tpu.enqueue_dma source(%dma_start3A_29 : memref<640xf32, #tpu.memory_space<hbm>>) target(%dma_start3A : memref<640xf32, #tpu.memory_space<vmem_shared>>) target_semaphore(%run_scoped3A : memref<!tpu.dma_semaphore, #tpu.memory_space<semaphore_mem>>)
      %dma_wait3A = tpu.memref_slice %arg10[%mul3A_8] : memref<10240xf32, #tpu.memory_space<vmem_shared>> -> memref<640xf32, #tpu.memory_space<vmem_shared>>
      %dma_wait3A_30 = tpu.memref_slice %arg6[%mul3A_6] : memref<10240xf32, #tpu.memory_space<hbm>> -> memref<640xf32, #tpu.memory_space<hbm>>
      tpu.wait_dma2 semaphore(%run_scoped3A : memref<!tpu.dma_semaphore, #tpu.memory_space<semaphore_mem>>) src(%dma_wait3A_30 : memref<640xf32, #tpu.memory_space<hbm>>) dst(%dma_wait3A : memref<640xf32, #tpu.memory_space<vmem_shared>>)
      tpu.yield
    }) : () -> ()
    %scan3A = arith.constant 0 : i32
    %scan3A_9 = arith.constant 5 : i32
    %scan3A_10 = arith.addi %scan3A, %scan3A_9 : i32
    %scan3A_11 = arith.constant 1 : i32
    scf.for %scan3A_29 = %scan3A to %scan3A_10 step %scan3A_11  : i32 {
      %mul3A_30 = arith.constant 16 : i32
      %mul3A_31 = arith.muli %scan3A_29, %mul3A_30 : i32
      %add3A_32 = arith.constant 0 : i32
      %add3A_33 = arith.addi %add3A_32, %mul3A_31 : i32
      %broadcast_in_dim3A = arith.constant 1.000000e+00 : f32
      %broadcast_in_dim3A_34 = vector.broadcast %broadcast_in_dim3A : f32 to vector<16xf32>
      %swap3A = arith.index_cast %add3A_33 : i32 to index
      %swap3A_35 = tpu.vector_load %arg9[%swap3A] {strides = array<i32>} : memref<80xf32, #tpu.memory_space<vmem>>, vector<16xf32>,
      %swap3A_36 = vector.shape_cast %swap3A_35 : vector<16xf32> to vector<16xf32>
      %swap3A_37 = vector.shape_cast %broadcast_in_dim3A_34 : vector<16xf32> to vector<16xf32>
      tpu.vector_store %arg9[%swap3A], %swap3A_37 {strides = array<i32>} : memref<80xf32, #tpu.memory_space<vmem>>, vector<16xf32>,
    }
    %scan3A_12 = arith.constant 5 : i32
    %barrier3A = arith.constant 0 : index
    tpu.barrier barrier_id(%barrier3A)
    %mul3A_13 = arith.constant 10000 : i32
    %mul3A_14 = arith.muli %add3A, %mul3A_13 : i32
    %scan3A_15 = arith.constant 0 : i32
    %scan3A_16 = arith.constant 125 : i32
    %scan3A_17 = arith.addi %scan3A_15, %scan3A_16 : i32
    %scan3A_18 = arith.constant 1 : i32
    scf.for %scan3A_29 = %scan3A_15 to %scan3A_17 step %scan3A_18  : i32 {
      %mul3A_30 = arith.constant 1 : i32
      %mul3A_31 = arith.muli %scan3A_29, %mul3A_30 : i32
      %add3A_32 = arith.constant 0 : i32
      %add3A_33 = arith.addi %add3A_32, %mul3A_31 : i32
      %mul3A_34 = arith.constant 80 : i32
      %mul3A_35 = arith.muli %add3A_33, %mul3A_34 : i32
      %add3A_36 = arith.addi %mul3A_14, %mul3A_35 : i32
      "tpu.region"() ({
        %run_scoped3A = tpu.sem_alloc : memref<!tpu.dma_semaphore, #tpu.memory_space<semaphore_mem>>
        %dma_start3A_41 = tpu.memref_slice %arg3[%add3A_36] : memref<320000xi32, #tpu.memory_space<hbm>> -> memref<80xi32, #tpu.memory_space<hbm>>
        %dma_start3A_42 = tpu.memref_slice %arg3[%add3A_36] : memref<320000xi32, #tpu.memory_space<hbm>> -> memref<80xi32, #tpu.memory_space<hbm>>
        tpu.enqueue_dma source(%dma_start3A_42 : memref<80xi32, #tpu.memory_space<hbm>>) target(%arg11 : memref<80xi32, #tpu.memory_space<vmem>>) target_semaphore(%run_scoped3A : memref<!tpu.dma_semaphore, #tpu.memory_space<semaphore_mem>>)
        %dma_wait3A_43 = tpu.memref_slice %arg3[%add3A_36] : memref<320000xi32, #tpu.memory_space<hbm>> -> memref<80xi32, #tpu.memory_space<hbm>>
        %dma_wait3A_44 = tpu.memref_slice %arg3[%add3A_36] : memref<320000xi32, #tpu.memory_space<hbm>> -> memref<80xi32, #tpu.memory_space<hbm>>
        tpu.wait_dma2 semaphore(%run_scoped3A : memref<!tpu.dma_semaphore, #tpu.memory_space<semaphore_mem>>) src(%dma_wait3A_44 : memref<80xi32, #tpu.memory_space<hbm>>) dst(%arg11 : memref<80xi32, #tpu.memory_space<vmem>>)
        tpu.yield
      }) : () -> ()
      "tpu.region"() ({
        %run_scoped3A = tpu.sem_alloc : memref<!tpu.dma_semaphore, #tpu.memory_space<semaphore_mem>>
        %dma_start3A_41 = tpu.memref_slice %arg4[%add3A_36] : memref<320000xi32, #tpu.memory_space<hbm>> -> memref<80xi32, #tpu.memory_space<hbm>>
        %dma_start3A_42 = tpu.memref_slice %arg4[%add3A_36] : memref<320000xi32, #tpu.memory_space<hbm>> -> memref<80xi32, #tpu.memory_space<hbm>>
        tpu.enqueue_dma source(%dma_start3A_42 : memref<80xi32, #tpu.memory_space<hbm>>) target(%arg12 : memref<80xi32, #tpu.memory_space<vmem>>) target_semaphore(%run_scoped3A : memref<!tpu.dma_semaphore, #tpu.memory_space<semaphore_mem>>)
        %dma_wait3A_43 = tpu.memref_slice %arg4[%add3A_36] : memref<320000xi32, #tpu.memory_space<hbm>> -> memref<80xi32, #tpu.memory_space<hbm>>
        %dma_wait3A_44 = tpu.memref_slice %arg4[%add3A_36] : memref<320000xi32, #tpu.memory_space<hbm>> -> memref<80xi32, #tpu.memory_space<hbm>>
        tpu.wait_dma2 semaphore(%run_scoped3A : memref<!tpu.dma_semaphore, #tpu.memory_space<semaphore_mem>>) src(%dma_wait3A_44 : memref<80xi32, #tpu.memory_space<hbm>>) dst(%arg12 : memref<80xi32, #tpu.memory_space<vmem>>)
        tpu.yield
      }) : () -> ()
      %dma_start3A = arith.constant 0 : i32
      %dma_start3A_37 = arith.constant 0 : i32
      %dma_start3A_38 = tpu.memref_slice %arg2[%dma_start3A, %dma_start3A_37] : memref<10240x128xf32, #tpu.memory_space<hbm>> -> memref<10240x128xf32, #tpu.memory_space<hbm>>
      tpu.enqueue_indirect_dma source(%dma_start3A_38 : memref<10240x128xf32, #tpu.memory_space<hbm>>) target(%arg13 : memref<80x128xf32, #tpu.memory_space<vmem>>) offsets(%arg11 : memref<80xi32, #tpu.memory_space<vmem>>) semaphore(%arg15 : memref<!tpu.dma_semaphore, #tpu.memory_space<semaphore_mem>>)
      %dma_wait3A = arith.constant 0 : i32
      %dma_wait3A_39 = arith.constant 0 : i32
      %dma_wait3A_40 = tpu.memref_slice %arg2[%dma_wait3A, %dma_wait3A_39] : memref<10240x128xf32, #tpu.memory_space<hbm>> -> memref<10240x128xf32, #tpu.memory_space<hbm>>
      tpu.wait_indirect_dma semaphore(%arg15 : memref<!tpu.dma_semaphore, #tpu.memory_space<semaphore_mem>>) src(%dma_wait3A_40 : memref<10240x128xf32, #tpu.memory_space<hbm>>) dst(%arg13 : memref<80x128xf32, #tpu.memory_space<vmem>>)
      "tpu.region"() ({
        %run_scoped3A = tpu.sem_alloc : memref<!tpu.dma_semaphore, #tpu.memory_space<semaphore_mem>>
        %dma_start3A_41 = arith.constant 0 : i32
        %dma_start3A_42 = arith.constant 0 : i32
        %dma_start3A_43 = tpu.memref_slice %arg14[%dma_start3A_41, %dma_start3A_42] : memref<10240x128xf32, #tpu.memory_space<vmem_shared>> -> memref<10240x128xf32, #tpu.memory_space<vmem_shared>>
        tpu.enqueue_indirect_dma source(%arg13 : memref<80x128xf32, #tpu.memory_space<vmem>>) target(%dma_start3A_43 : memref<10240x128xf32, #tpu.memory_space<vmem_shared>>) offsets(%arg12 : memref<80xi32, #tpu.memory_space<vmem>>) semaphore(%run_scoped3A : memref<!tpu.dma_semaphore, #tpu.memory_space<semaphore_mem>>) {add = true}
        %dma_wait3A_44 = arith.constant 0 : i32
        %dma_wait3A_45 = arith.constant 0 : i32
        %dma_wait3A_46 = tpu.memref_slice %arg14[%dma_wait3A_44, %dma_wait3A_45] : memref<10240x128xf32, #tpu.memory_space<vmem_shared>> -> memref<10240x128xf32, #tpu.memory_space<vmem_shared>>
        tpu.wait_indirect_dma semaphore(%run_scoped3A : memref<!tpu.dma_semaphore, #tpu.memory_space<semaphore_mem>>) src(%arg13 : memref<80x128xf32, #tpu.memory_space<vmem>>) dst(%dma_wait3A_46 : memref<10240x128xf32, #tpu.memory_space<vmem_shared>>)
        tpu.yield
      }) : () -> ()
      "tpu.region"() ({
        %run_scoped3A = tpu.sem_alloc : memref<!tpu.dma_semaphore, #tpu.memory_space<semaphore_mem>>
        %dma_start3A_41 = arith.constant 0 : i32
        %dma_start3A_42 = tpu.memref_slice %arg10[%dma_start3A_41] : memref<10240xf32, #tpu.memory_space<vmem_shared>> -> memref<10240xf32, #tpu.memory_space<vmem_shared>>
        tpu.enqueue_indirect_dma source(%arg9 : memref<80xf32, #tpu.memory_space<vmem>>) target(%dma_start3A_42 : memref<10240xf32, #tpu.memory_space<vmem_shared>>) offsets(%arg12 : memref<80xi32, #tpu.memory_space<vmem>>) semaphore(%run_scoped3A : memref<!tpu.dma_semaphore, #tpu.memory_space<semaphore_mem>>) {add = true}
        %dma_wait3A_43 = arith.constant 0 : i32
        %dma_wait3A_44 = tpu.memref_slice %arg10[%dma_wait3A_43] : memref<10240xf32, #tpu.memory_space<vmem_shared>> -> memref<10240xf32, #tpu.memory_space<vmem_shared>>
        tpu.wait_indirect_dma semaphore(%run_scoped3A : memref<!tpu.dma_semaphore, #tpu.memory_space<semaphore_mem>>) src(%arg9 : memref<80xf32, #tpu.memory_space<vmem>>) dst(%dma_wait3A_44 : memref<10240xf32, #tpu.memory_space<vmem_shared>>)
        tpu.yield
      }) : () -> ()
    }
    %scan3A_19 = arith.constant 125 : i32
    %barrier3A_20 = arith.constant 0 : index
    tpu.barrier barrier_id(%barrier3A_20)
    %mul3A_21 = arith.constant 640 : i32
    %mul3A_22 = arith.muli %arg1, %mul3A_21 : i32
    %mul3A_23 = arith.constant 640 : i32
    %mul3A_24 = arith.muli %arg1, %mul3A_23 : i32
    "tpu.region"() ({
      %run_scoped3A = tpu.sem_alloc : memref<!tpu.dma_semaphore, #tpu.memory_space<semaphore_mem>>
      %dma_start3A = arith.constant 0 : i32
      %dma_start3A_29 = arith.constant 0 : i32
      %dma_start3A_30 = tpu.memref_slice %arg7[%arg0, %dma_start3A, %dma_start3A_29] : memref<2x10240x128xf32, #tpu.memory_space<hbm>> -> memref<1x10240x128xf32, #tpu.memory_space<hbm>>
      %dma_start3A_31 = tpu.memref_squeeze %dma_start3A_30 : memref<1x10240x128xf32, #tpu.memory_space<hbm>> -> memref<10240x128xf32, #tpu.memory_space<hbm>>
      %dma_start3A_32 = arith.constant 0 : i32
      %dma_start3A_33 = tpu.memref_slice %dma_start3A_31[%mul3A_24, %dma_start3A_32] : memref<10240x128xf32, #tpu.memory_space<hbm>> -> memref<640x128xf32, #tpu.memory_space<hbm>>
      %dma_start3A_34 = arith.constant 0 : i32
      %dma_start3A_35 = tpu.memref_slice %arg14[%mul3A_22, %dma_start3A_34] : memref<10240x128xf32, #tpu.memory_space<vmem_shared>> -> memref<640x128xf32, #tpu.memory_space<vmem_shared>>
      tpu.enqueue_dma source(%dma_start3A_35 : memref<640x128xf32, #tpu.memory_space<vmem_shared>>) target(%dma_start3A_33 : memref<640x128xf32, #tpu.memory_space<hbm>>) target_semaphore(%run_scoped3A : memref<!tpu.dma_semaphore, #tpu.memory_space<semaphore_mem>>)
      %dma_wait3A = arith.constant 0 : i32
      %dma_wait3A_36 = arith.constant 0 : i32
      %dma_wait3A_37 = tpu.memref_slice %arg7[%arg0, %dma_wait3A, %dma_wait3A_36] : memref<2x10240x128xf32, #tpu.memory_space<hbm>> -> memref<1x10240x128xf32, #tpu.memory_space<hbm>>
      %dma_wait3A_38 = tpu.memref_squeeze %dma_wait3A_37 : memref<1x10240x128xf32, #tpu.memory_space<hbm>> -> memref<10240x128xf32, #tpu.memory_space<hbm>>
      %dma_wait3A_39 = arith.constant 0 : i32
      %dma_wait3A_40 = tpu.memref_slice %dma_wait3A_38[%mul3A_24, %dma_wait3A_39] : memref<10240x128xf32, #tpu.memory_space<hbm>> -> memref<640x128xf32, #tpu.memory_space<hbm>>
      %dma_wait3A_41 = arith.constant 0 : i32
      %dma_wait3A_42 = tpu.memref_slice %arg14[%mul3A_22, %dma_wait3A_41] : memref<10240x128xf32, #tpu.memory_space<vmem_shared>> -> memref<640x128xf32, #tpu.memory_space<vmem_shared>>
      tpu.wait_dma2 semaphore(%run_scoped3A : memref<!tpu.dma_semaphore, #tpu.memory_space<semaphore_mem>>) src(%dma_wait3A_42 : memref<640x128xf32, #tpu.memory_space<vmem_shared>>) dst(%dma_wait3A_40 : memref<640x128xf32, #tpu.memory_space<hbm>>)
      tpu.yield
    }) : () -> ()
    %mul3A_25 = arith.constant 640 : i32
    %mul3A_26 = arith.muli %arg1, %mul3A_25 : i32
    %mul3A_27 = arith.constant 640 : i32
    %mul3A_28 = arith.muli %arg1, %mul3A_27 : i32
    "tpu.region"() ({
      %run_scoped3A = tpu.sem_alloc : memref<!tpu.dma_semaphore, #tpu.memory_space<semaphore_mem>>
      %dma_start3A = arith.constant 0 : i32
      %dma_start3A_29 = tpu.memref_slice %arg8[%arg0, %dma_start3A] : memref<2x10240xf32, #tpu.memory_space<hbm>> -> memref<1x10240xf32, #tpu.memory_space<hbm>>
      %dma_start3A_30 = tpu.memref_squeeze %dma_start3A_29 : memref<1x10240xf32, #tpu.memory_space<hbm>> -> memref<10240xf32, #tpu.memory_space<hbm>>
      %dma_start3A_31 = tpu.memref_slice %dma_start3A_30[%mul3A_28] : memref<10240xf32, #tpu.memory_space<hbm>> -> memref<640xf32, #tpu.memory_space<hbm>>
      %dma_start3A_32 = tpu.memref_slice %arg10[%mul3A_26] : memref<10240xf32, #tpu.memory_space<vmem_shared>> -> memref<640xf32, #tpu.memory_space<vmem_shared>>
      tpu.enqueue_dma source(%dma_start3A_32 : memref<640xf32, #tpu.memory_space<vmem_shared>>) target(%dma_start3A_31 : memref<640xf32, #tpu.memory_space<hbm>>) target_semaphore(%run_scoped3A : memref<!tpu.dma_semaphore, #tpu.memory_space<semaphore_mem>>)
      %dma_wait3A = arith.constant 0 : i32
      %dma_wait3A_33 = tpu.memref_slice %arg8[%arg0, %dma_wait3A] : memref<2x10240xf32, #tpu.memory_space<hbm>> -> memref<1x10240xf32, #tpu.memory_space<hbm>>
      %dma_wait3A_34 = tpu.memref_squeeze %dma_wait3A_33 : memref<1x10240xf32, #tpu.memory_space<hbm>> -> memref<10240xf32, #tpu.memory_space<hbm>>
      %dma_wait3A_35 = tpu.memref_slice %dma_wait3A_34[%mul3A_28] : memref<10240xf32, #tpu.memory_space<hbm>> -> memref<640xf32, #tpu.memory_space<hbm>>
      %dma_wait3A_36 = tpu.memref_slice %arg10[%mul3A_26] : memref<10240xf32, #tpu.memory_space<vmem_shared>> -> memref<640xf32, #tpu.memory_space<vmem_shared>>
      tpu.wait_dma2 semaphore(%run_scoped3A : memref<!tpu.dma_semaphore, #tpu.memory_space<semaphore_mem>>) src(%dma_wait3A_36 : memref<640xf32, #tpu.memory_space<vmem_shared>>) dst(%dma_wait3A_35 : memref<640xf32, #tpu.memory_space<hbm>>)
      tpu.yield
    }) : () -> ()
    return
  }
}

#map = affine_map<(d0, d1) -> (0, 0)>
#map1 = affine_map<(d0, d1) -> (0)>
#map2 = affine_map<(d0, d1) -> (0, 0, 0)>
module attributes {stable_mosaic.version = 14 : i64} {
  func.func @body(%arg0: i32, %arg1: i32, %arg2: memref<10240x128xf32, #tpu.memory_space<hbm>>, %arg3: memref<320000xi32, #tpu.memory_space<hbm>>, %arg4: memref<320000xi32, #tpu.memory_space<hbm>>, %arg5: memref<10240x128xf32, #tpu.memory_space<hbm>>, %arg6: memref<10240xf32, #tpu.memory_space<hbm>>, %arg7: memref<2x10240x128xf32, #tpu.memory_space<hbm>>, %arg8: memref<80xi32, #tpu.memory_space<vmem>>, %arg9: memref<80xi32, #tpu.memory_space<vmem>>, %arg10: memref<80x128xf32, #tpu.memory_space<vmem>>, %arg11: memref<10240x128xf32, #tpu.memory_space<vmem_shared>>, %arg12: memref<!tpu.dma_semaphore, #tpu.memory_space<semaphore_mem>>) attributes {dimension_semantics = [#tpu.dimension_semantics<core_parallel>, #tpu.dimension_semantics<subcore_parallel>], iteration_bounds = array<i64: 2, 16>, scalar_prefetch = 0 : i64, scratch_operands = 5 : i64, tpu.core_type = #tpu.core_type<sc_vector_subcore>, window_params = [{transform_indices = #map}, {transform_indices = #map1}, {transform_indices = #map1}, {transform_indices = #map}, {transform_indices = #map1}, {transform_indices = #map2}]} {
    %mul3A = arith.constant 16 : i32
    %mul3A_0 = arith.muli %arg0, %mul3A : i32
    %add3A = arith.addi %mul3A_0, %arg1 : i32
    %mul3A_1 = arith.constant 640 : i32
    %mul3A_2 = arith.muli %arg1, %mul3A_1 : i32
    %mul3A_3 = arith.constant 640 : i32
    %mul3A_4 = arith.muli %arg1, %mul3A_3 : i32
    "tpu.region"() ({
      %run_scoped3A = tpu.sem_alloc : memref<!tpu.dma_semaphore, #tpu.memory_space<semaphore_mem>>
      %dma_start3A = arith.constant 0 : i32
      %dma_start3A_16 = tpu.memref_slice %arg11[%mul3A_4, %dma_start3A] : memref<10240x128xf32, #tpu.memory_space<vmem_shared>> -> memref<640x128xf32, #tpu.memory_space<vmem_shared>>
      %dma_start3A_17 = arith.constant 0 : i32
      %dma_start3A_18 = tpu.memref_slice %arg5[%mul3A_2, %dma_start3A_17] : memref<10240x128xf32, #tpu.memory_space<hbm>> -> memref<640x128xf32, #tpu.memory_space<hbm>>
      tpu.enqueue_dma source(%dma_start3A_18 : memref<640x128xf32, #tpu.memory_space<hbm>>) target(%dma_start3A_16 : memref<640x128xf32, #tpu.memory_space<vmem_shared>>) target_semaphore(%run_scoped3A : memref<!tpu.dma_semaphore, #tpu.memory_space<semaphore_mem>>)
      %dma_wait3A = arith.constant 0 : i32
      %dma_wait3A_19 = tpu.memref_slice %arg11[%mul3A_4, %dma_wait3A] : memref<10240x128xf32, #tpu.memory_space<vmem_shared>> -> memref<640x128xf32, #tpu.memory_space<vmem_shared>>
      %dma_wait3A_20 = arith.constant 0 : i32
      %dma_wait3A_21 = tpu.memref_slice %arg5[%mul3A_2, %dma_wait3A_20] : memref<10240x128xf32, #tpu.memory_space<hbm>> -> memref<640x128xf32, #tpu.memory_space<hbm>>
      tpu.wait_dma2 semaphore(%run_scoped3A : memref<!tpu.dma_semaphore, #tpu.memory_space<semaphore_mem>>) src(%dma_wait3A_21 : memref<640x128xf32, #tpu.memory_space<hbm>>) dst(%dma_wait3A_19 : memref<640x128xf32, #tpu.memory_space<vmem_shared>>)
      tpu.yield
    }) : () -> ()
    %barrier3A = arith.constant 0 : index
    tpu.barrier barrier_id(%barrier3A)
    %mul3A_5 = arith.constant 10000 : i32
    %mul3A_6 = arith.muli %add3A, %mul3A_5 : i32
    %scan3A = arith.constant 0 : i32
    %scan3A_7 = arith.constant 125 : i32
    %scan3A_8 = arith.addi %scan3A, %scan3A_7 : i32
    %scan3A_9 = arith.constant 1 : i32
    scf.for %scan3A_16 = %scan3A to %scan3A_8 step %scan3A_9  : i32 {
      %mul3A_17 = arith.constant 1 : i32
      %mul3A_18 = arith.muli %scan3A_16, %mul3A_17 : i32
      %add3A_19 = arith.constant 0 : i32
      %add3A_20 = arith.addi %add3A_19, %mul3A_18 : i32
      %mul3A_21 = arith.constant 80 : i32
      %mul3A_22 = arith.muli %add3A_20, %mul3A_21 : i32
      %add3A_23 = arith.addi %mul3A_6, %mul3A_22 : i32
      "tpu.region"() ({
        %run_scoped3A = tpu.sem_alloc : memref<!tpu.dma_semaphore, #tpu.memory_space<semaphore_mem>>
        %dma_start3A_28 = tpu.memref_slice %arg3[%add3A_23] : memref<320000xi32, #tpu.memory_space<hbm>> -> memref<80xi32, #tpu.memory_space<hbm>>
        %dma_start3A_29 = tpu.memref_slice %arg3[%add3A_23] : memref<320000xi32, #tpu.memory_space<hbm>> -> memref<80xi32, #tpu.memory_space<hbm>>
        tpu.enqueue_dma source(%dma_start3A_29 : memref<80xi32, #tpu.memory_space<hbm>>) target(%arg8 : memref<80xi32, #tpu.memory_space<vmem>>) target_semaphore(%run_scoped3A : memref<!tpu.dma_semaphore, #tpu.memory_space<semaphore_mem>>)
        %dma_wait3A_30 = tpu.memref_slice %arg3[%add3A_23] : memref<320000xi32, #tpu.memory_space<hbm>> -> memref<80xi32, #tpu.memory_space<hbm>>
        %dma_wait3A_31 = tpu.memref_slice %arg3[%add3A_23] : memref<320000xi32, #tpu.memory_space<hbm>> -> memref<80xi32, #tpu.memory_space<hbm>>
        tpu.wait_dma2 semaphore(%run_scoped3A : memref<!tpu.dma_semaphore, #tpu.memory_space<semaphore_mem>>) src(%dma_wait3A_31 : memref<80xi32, #tpu.memory_space<hbm>>) dst(%arg8 : memref<80xi32, #tpu.memory_space<vmem>>)
        tpu.yield
      }) : () -> ()
      "tpu.region"() ({
        %run_scoped3A = tpu.sem_alloc : memref<!tpu.dma_semaphore, #tpu.memory_space<semaphore_mem>>
        %dma_start3A_28 = tpu.memref_slice %arg4[%add3A_23] : memref<320000xi32, #tpu.memory_space<hbm>> -> memref<80xi32, #tpu.memory_space<hbm>>
        %dma_start3A_29 = tpu.memref_slice %arg4[%add3A_23] : memref<320000xi32, #tpu.memory_space<hbm>> -> memref<80xi32, #tpu.memory_space<hbm>>
        tpu.enqueue_dma source(%dma_start3A_29 : memref<80xi32, #tpu.memory_space<hbm>>) target(%arg9 : memref<80xi32, #tpu.memory_space<vmem>>) target_semaphore(%run_scoped3A : memref<!tpu.dma_semaphore, #tpu.memory_space<semaphore_mem>>)
        %dma_wait3A_30 = tpu.memref_slice %arg4[%add3A_23] : memref<320000xi32, #tpu.memory_space<hbm>> -> memref<80xi32, #tpu.memory_space<hbm>>
        %dma_wait3A_31 = tpu.memref_slice %arg4[%add3A_23] : memref<320000xi32, #tpu.memory_space<hbm>> -> memref<80xi32, #tpu.memory_space<hbm>>
        tpu.wait_dma2 semaphore(%run_scoped3A : memref<!tpu.dma_semaphore, #tpu.memory_space<semaphore_mem>>) src(%dma_wait3A_31 : memref<80xi32, #tpu.memory_space<hbm>>) dst(%arg9 : memref<80xi32, #tpu.memory_space<vmem>>)
        tpu.yield
      }) : () -> ()
      %dma_start3A = arith.constant 0 : i32
      %dma_start3A_24 = arith.constant 0 : i32
      %dma_start3A_25 = tpu.memref_slice %arg2[%dma_start3A, %dma_start3A_24] : memref<10240x128xf32, #tpu.memory_space<hbm>> -> memref<10240x128xf32, #tpu.memory_space<hbm>>
      tpu.enqueue_indirect_dma source(%dma_start3A_25 : memref<10240x128xf32, #tpu.memory_space<hbm>>) target(%arg10 : memref<80x128xf32, #tpu.memory_space<vmem>>) offsets(%arg8 : memref<80xi32, #tpu.memory_space<vmem>>) semaphore(%arg12 : memref<!tpu.dma_semaphore, #tpu.memory_space<semaphore_mem>>)
      %dma_wait3A = arith.constant 0 : i32
      %dma_wait3A_26 = arith.constant 0 : i32
      %dma_wait3A_27 = tpu.memref_slice %arg2[%dma_wait3A, %dma_wait3A_26] : memref<10240x128xf32, #tpu.memory_space<hbm>> -> memref<10240x128xf32, #tpu.memory_space<hbm>>
      tpu.wait_indirect_dma semaphore(%arg12 : memref<!tpu.dma_semaphore, #tpu.memory_space<semaphore_mem>>) src(%dma_wait3A_27 : memref<10240x128xf32, #tpu.memory_space<hbm>>) dst(%arg10 : memref<80x128xf32, #tpu.memory_space<vmem>>)
      "tpu.region"() ({
        %run_scoped3A = tpu.sem_alloc : memref<!tpu.dma_semaphore, #tpu.memory_space<semaphore_mem>>
        %dma_start3A_28 = arith.constant 0 : i32
        %dma_start3A_29 = arith.constant 0 : i32
        %dma_start3A_30 = tpu.memref_slice %arg11[%dma_start3A_28, %dma_start3A_29] : memref<10240x128xf32, #tpu.memory_space<vmem_shared>> -> memref<10240x128xf32, #tpu.memory_space<vmem_shared>>
        tpu.enqueue_indirect_dma source(%arg10 : memref<80x128xf32, #tpu.memory_space<vmem>>) target(%dma_start3A_30 : memref<10240x128xf32, #tpu.memory_space<vmem_shared>>) offsets(%arg9 : memref<80xi32, #tpu.memory_space<vmem>>) semaphore(%run_scoped3A : memref<!tpu.dma_semaphore, #tpu.memory_space<semaphore_mem>>) {add = true}
        %dma_wait3A_31 = arith.constant 0 : i32
        %dma_wait3A_32 = arith.constant 0 : i32
        %dma_wait3A_33 = tpu.memref_slice %arg11[%dma_wait3A_31, %dma_wait3A_32] : memref<10240x128xf32, #tpu.memory_space<vmem_shared>> -> memref<10240x128xf32, #tpu.memory_space<vmem_shared>>
        tpu.wait_indirect_dma semaphore(%run_scoped3A : memref<!tpu.dma_semaphore, #tpu.memory_space<semaphore_mem>>) src(%arg10 : memref<80x128xf32, #tpu.memory_space<vmem>>) dst(%dma_wait3A_33 : memref<10240x128xf32, #tpu.memory_space<vmem_shared>>)
        tpu.yield
      }) : () -> ()
    }
    %scan3A_10 = arith.constant 125 : i32
    %barrier3A_11 = arith.constant 0 : index
    tpu.barrier barrier_id(%barrier3A_11)
    %mul3A_12 = arith.constant 640 : i32
    %mul3A_13 = arith.muli %arg1, %mul3A_12 : i32
    %mul3A_14 = arith.constant 640 : i32
    %mul3A_15 = arith.muli %arg1, %mul3A_14 : i32
    "tpu.region"() ({
      %run_scoped3A = tpu.sem_alloc : memref<!tpu.dma_semaphore, #tpu.memory_space<semaphore_mem>>
      %dma_start3A = arith.constant 0 : i32
      %dma_start3A_16 = arith.constant 0 : i32
      %dma_start3A_17 = tpu.memref_slice %arg7[%arg0, %dma_start3A, %dma_start3A_16] : memref<2x10240x128xf32, #tpu.memory_space<hbm>> -> memref<1x10240x128xf32, #tpu.memory_space<hbm>>
      %dma_start3A_18 = tpu.memref_squeeze %dma_start3A_17 : memref<1x10240x128xf32, #tpu.memory_space<hbm>> -> memref<10240x128xf32, #tpu.memory_space<hbm>>
      %dma_start3A_19 = arith.constant 0 : i32
      %dma_start3A_20 = tpu.memref_slice %dma_start3A_18[%mul3A_15, %dma_start3A_19] : memref<10240x128xf32, #tpu.memory_space<hbm>> -> memref<640x128xf32, #tpu.memory_space<hbm>>
      %dma_start3A_21 = arith.constant 0 : i32
      %dma_start3A_22 = tpu.memref_slice %arg11[%mul3A_13, %dma_start3A_21] : memref<10240x128xf32, #tpu.memory_space<vmem_shared>> -> memref<640x128xf32, #tpu.memory_space<vmem_shared>>
      tpu.enqueue_dma source(%dma_start3A_22 : memref<640x128xf32, #tpu.memory_space<vmem_shared>>) target(%dma_start3A_20 : memref<640x128xf32, #tpu.memory_space<hbm>>) target_semaphore(%run_scoped3A : memref<!tpu.dma_semaphore, #tpu.memory_space<semaphore_mem>>)
      %dma_wait3A = arith.constant 0 : i32
      %dma_wait3A_23 = arith.constant 0 : i32
      %dma_wait3A_24 = tpu.memref_slice %arg7[%arg0, %dma_wait3A, %dma_wait3A_23] : memref<2x10240x128xf32, #tpu.memory_space<hbm>> -> memref<1x10240x128xf32, #tpu.memory_space<hbm>>
      %dma_wait3A_25 = tpu.memref_squeeze %dma_wait3A_24 : memref<1x10240x128xf32, #tpu.memory_space<hbm>> -> memref<10240x128xf32, #tpu.memory_space<hbm>>
      %dma_wait3A_26 = arith.constant 0 : i32
      %dma_wait3A_27 = tpu.memref_slice %dma_wait3A_25[%mul3A_15, %dma_wait3A_26] : memref<10240x128xf32, #tpu.memory_space<hbm>> -> memref<640x128xf32, #tpu.memory_space<hbm>>
      %dma_wait3A_28 = arith.constant 0 : i32
      %dma_wait3A_29 = tpu.memref_slice %arg11[%mul3A_13, %dma_wait3A_28] : memref<10240x128xf32, #tpu.memory_space<vmem_shared>> -> memref<640x128xf32, #tpu.memory_space<vmem_shared>>
      tpu.wait_dma2 semaphore(%run_scoped3A : memref<!tpu.dma_semaphore, #tpu.memory_space<semaphore_mem>>) src(%dma_wait3A_29 : memref<640x128xf32, #tpu.memory_space<vmem_shared>>) dst(%dma_wait3A_27 : memref<640x128xf32, #tpu.memory_space<hbm>>)
      tpu.yield
    }) : () -> ()
    return
  }
}

#map = affine_map<(d0, d1) -> (0, 0)>
#map1 = affine_map<(d0, d1) -> (0)>
module attributes {stable_mosaic.version = 14 : i64} {
  func.func @body(%arg0: i32, %arg1: i32, %arg2: memref<10240x128xf32, #tpu.memory_space<hbm>>, %arg3: memref<10240x128xf32, #tpu.memory_space<hbm>>, %arg4: memref<10240x128xf32, #tpu.memory_space<hbm>>, %arg5: memref<10240x128xf32, #tpu.memory_space<hbm>>, %arg6: memref<1024xi32, #tpu.memory_space<hbm>>, %arg7: memref<1024x128xf32, #tpu.memory_space<hbm>>, %arg8: memref<1024x128xf32, #tpu.memory_space<hbm>>, %arg9: memref<1024x128xf32, #tpu.memory_space<hbm>>, %arg10: memref<1024x128xf32, #tpu.memory_space<hbm>>, %arg11: memref<32xi32, #tpu.memory_space<vmem>>, %arg12: memref<32x128xf32, #tpu.memory_space<vmem>>, %arg13: memref<32x128xf32, #tpu.memory_space<vmem>>, %arg14: memref<!tpu.dma_semaphore, #tpu.memory_space<semaphore_mem>>) attributes {dimension_semantics = [#tpu.dimension_semantics<core_parallel>, #tpu.dimension_semantics<subcore_parallel>], iteration_bounds = array<i64: 2, 16>, scalar_prefetch = 0 : i64, scratch_operands = 4 : i64, tpu.core_type = #tpu.core_type<sc_vector_subcore>, window_params = [{transform_indices = #map}, {transform_indices = #map}, {transform_indices = #map}, {transform_indices = #map}, {transform_indices = #map1}, {transform_indices = #map}, {transform_indices = #map}, {transform_indices = #map}, {transform_indices = #map}]} {
    %mul3A = arith.constant 16 : i32
    %mul3A_0 = arith.muli %arg0, %mul3A : i32
    %add3A = arith.addi %mul3A_0, %arg1 : i32
    %mul3A_1 = arith.constant 32 : i32
    %mul3A_2 = arith.muli %add3A, %mul3A_1 : i32
    "tpu.region"() ({
      %run_scoped3A = tpu.sem_alloc : memref<!tpu.dma_semaphore, #tpu.memory_space<semaphore_mem>>
      %dma_start3A_25 = tpu.memref_slice %arg6[%mul3A_2] : memref<1024xi32, #tpu.memory_space<hbm>> -> memref<32xi32, #tpu.memory_space<hbm>>
      %dma_start3A_26 = tpu.memref_slice %arg6[%mul3A_2] : memref<1024xi32, #tpu.memory_space<hbm>> -> memref<32xi32, #tpu.memory_space<hbm>>
      tpu.enqueue_dma source(%dma_start3A_26 : memref<32xi32, #tpu.memory_space<hbm>>) target(%arg11 : memref<32xi32, #tpu.memory_space<vmem>>) target_semaphore(%run_scoped3A : memref<!tpu.dma_semaphore, #tpu.memory_space<semaphore_mem>>)
      %dma_wait3A_27 = tpu.memref_slice %arg6[%mul3A_2] : memref<1024xi32, #tpu.memory_space<hbm>> -> memref<32xi32, #tpu.memory_space<hbm>>
      %dma_wait3A_28 = tpu.memref_slice %arg6[%mul3A_2] : memref<1024xi32, #tpu.memory_space<hbm>> -> memref<32xi32, #tpu.memory_space<hbm>>
      tpu.wait_dma2 semaphore(%run_scoped3A : memref<!tpu.dma_semaphore, #tpu.memory_space<semaphore_mem>>) src(%dma_wait3A_28 : memref<32xi32, #tpu.memory_space<hbm>>) dst(%arg11 : memref<32xi32, #tpu.memory_space<vmem>>)
      tpu.yield
    }) : () -> ()
    %dma_start3A = arith.constant 0 : i32
    %dma_start3A_3 = arith.constant 0 : i32
    %dma_start3A_4 = tpu.memref_slice %arg2[%dma_start3A, %dma_start3A_3] : memref<10240x128xf32, #tpu.memory_space<hbm>> -> memref<10240x128xf32, #tpu.memory_space<hbm>>
    tpu.enqueue_indirect_dma source(%dma_start3A_4 : memref<10240x128xf32, #tpu.memory_space<hbm>>) target(%arg12 : memref<32x128xf32, #tpu.memory_space<vmem>>) offsets(%arg11 : memref<32xi32, #tpu.memory_space<vmem>>) semaphore(%arg14 : memref<!tpu.dma_semaphore, #tpu.memory_space<semaphore_mem>>)
    %dma_wait3A = arith.constant 0 : i32
    %dma_wait3A_5 = arith.constant 0 : i32
    %dma_wait3A_6 = tpu.memref_slice %arg2[%dma_wait3A, %dma_wait3A_5] : memref<10240x128xf32, #tpu.memory_space<hbm>> -> memref<10240x128xf32, #tpu.memory_space<hbm>>
    tpu.wait_indirect_dma semaphore(%arg14 : memref<!tpu.dma_semaphore, #tpu.memory_space<semaphore_mem>>) src(%dma_wait3A_6 : memref<10240x128xf32, #tpu.memory_space<hbm>>) dst(%arg12 : memref<32x128xf32, #tpu.memory_space<vmem>>)
    "tpu.region"() ({
      %run_scoped3A = tpu.sem_alloc : memref<!tpu.dma_semaphore, #tpu.memory_space<semaphore_mem>>
      %dma_start3A_25 = arith.constant 0 : i32
      %dma_start3A_26 = tpu.memref_slice %arg7[%mul3A_2, %dma_start3A_25] : memref<1024x128xf32, #tpu.memory_space<hbm>> -> memref<32x128xf32, #tpu.memory_space<hbm>>
      %dma_start3A_27 = arith.constant 0 : i32
      %dma_start3A_28 = tpu.memref_slice %arg7[%mul3A_2, %dma_start3A_27] : memref<1024x128xf32, #tpu.memory_space<hbm>> -> memref<32x128xf32, #tpu.memory_space<hbm>>
      tpu.enqueue_dma source(%arg12 : memref<32x128xf32, #tpu.memory_space<vmem>>) target(%dma_start3A_28 : memref<32x128xf32, #tpu.memory_space<hbm>>) target_semaphore(%run_scoped3A : memref<!tpu.dma_semaphore, #tpu.memory_space<semaphore_mem>>)
      %dma_wait3A_29 = arith.constant 0 : i32
      %dma_wait3A_30 = tpu.memref_slice %arg7[%mul3A_2, %dma_wait3A_29] : memref<1024x128xf32, #tpu.memory_space<hbm>> -> memref<32x128xf32, #tpu.memory_space<hbm>>
      %dma_wait3A_31 = arith.constant 0 : i32
      %dma_wait3A_32 = tpu.memref_slice %arg7[%mul3A_2, %dma_wait3A_31] : memref<1024x128xf32, #tpu.memory_space<hbm>> -> memref<32x128xf32, #tpu.memory_space<hbm>>
      tpu.wait_dma2 semaphore(%run_scoped3A : memref<!tpu.dma_semaphore, #tpu.memory_space<semaphore_mem>>) src(%arg12 : memref<32x128xf32, #tpu.memory_space<vmem>>) dst(%dma_wait3A_32 : memref<32x128xf32, #tpu.memory_space<hbm>>)
      tpu.yield
    }) : () -> ()
    %dma_start3A_7 = arith.constant 0 : i32
    %dma_start3A_8 = arith.constant 0 : i32
    %dma_start3A_9 = tpu.memref_slice %arg3[%dma_start3A_7, %dma_start3A_8] : memref<10240x128xf32, #tpu.memory_space<hbm>> -> memref<10240x128xf32, #tpu.memory_space<hbm>>
    tpu.enqueue_indirect_dma source(%dma_start3A_9 : memref<10240x128xf32, #tpu.memory_space<hbm>>) target(%arg12 : memref<32x128xf32, #tpu.memory_space<vmem>>) offsets(%arg11 : memref<32xi32, #tpu.memory_space<vmem>>) semaphore(%arg14 : memref<!tpu.dma_semaphore, #tpu.memory_space<semaphore_mem>>)
    %dma_wait3A_10 = arith.constant 0 : i32
    %dma_wait3A_11 = arith.constant 0 : i32
    %dma_wait3A_12 = tpu.memref_slice %arg3[%dma_wait3A_10, %dma_wait3A_11] : memref<10240x128xf32, #tpu.memory_space<hbm>> -> memref<10240x128xf32, #tpu.memory_space<hbm>>
    tpu.wait_indirect_dma semaphore(%arg14 : memref<!tpu.dma_semaphore, #tpu.memory_space<semaphore_mem>>) src(%dma_wait3A_12 : memref<10240x128xf32, #tpu.memory_space<hbm>>) dst(%arg12 : memref<32x128xf32, #tpu.memory_space<vmem>>)
    "tpu.region"() ({
      %run_scoped3A = tpu.sem_alloc : memref<!tpu.dma_semaphore, #tpu.memory_space<semaphore_mem>>
      %dma_start3A_25 = arith.constant 0 : i32
      %dma_start3A_26 = tpu.memref_slice %arg8[%mul3A_2, %dma_start3A_25] : memref<1024x128xf32, #tpu.memory_space<hbm>> -> memref<32x128xf32, #tpu.memory_space<hbm>>
      %dma_start3A_27 = arith.constant 0 : i32
      %dma_start3A_28 = tpu.memref_slice %arg8[%mul3A_2, %dma_start3A_27] : memref<1024x128xf32, #tpu.memory_space<hbm>> -> memref<32x128xf32, #tpu.memory_space<hbm>>
      tpu.enqueue_dma source(%arg12 : memref<32x128xf32, #tpu.memory_space<vmem>>) target(%dma_start3A_28 : memref<32x128xf32, #tpu.memory_space<hbm>>) target_semaphore(%run_scoped3A : memref<!tpu.dma_semaphore, #tpu.memory_space<semaphore_mem>>)
      %dma_wait3A_29 = arith.constant 0 : i32
      %dma_wait3A_30 = tpu.memref_slice %arg8[%mul3A_2, %dma_wait3A_29] : memref<1024x128xf32, #tpu.memory_space<hbm>> -> memref<32x128xf32, #tpu.memory_space<hbm>>
      %dma_wait3A_31 = arith.constant 0 : i32
      %dma_wait3A_32 = tpu.memref_slice %arg8[%mul3A_2, %dma_wait3A_31] : memref<1024x128xf32, #tpu.memory_space<hbm>> -> memref<32x128xf32, #tpu.memory_space<hbm>>
      tpu.wait_dma2 semaphore(%run_scoped3A : memref<!tpu.dma_semaphore, #tpu.memory_space<semaphore_mem>>) src(%arg12 : memref<32x128xf32, #tpu.memory_space<vmem>>) dst(%dma_wait3A_32 : memref<32x128xf32, #tpu.memory_space<hbm>>)
      tpu.yield
    }) : () -> ()
    %dma_start3A_13 = arith.constant 0 : i32
    %dma_start3A_14 = arith.constant 0 : i32
    %dma_start3A_15 = tpu.memref_slice %arg4[%dma_start3A_13, %dma_start3A_14] : memref<10240x128xf32, #tpu.memory_space<hbm>> -> memref<10240x128xf32, #tpu.memory_space<hbm>>
    tpu.enqueue_indirect_dma source(%dma_start3A_15 : memref<10240x128xf32, #tpu.memory_space<hbm>>) target(%arg12 : memref<32x128xf32, #tpu.memory_space<vmem>>) offsets(%arg11 : memref<32xi32, #tpu.memory_space<vmem>>) semaphore(%arg14 : memref<!tpu.dma_semaphore, #tpu.memory_space<semaphore_mem>>)
    %dma_wait3A_16 = arith.constant 0 : i32
    %dma_wait3A_17 = arith.constant 0 : i32
    %dma_wait3A_18 = tpu.memref_slice %arg4[%dma_wait3A_16, %dma_wait3A_17] : memref<10240x128xf32, #tpu.memory_space<hbm>> -> memref<10240x128xf32, #tpu.memory_space<hbm>>
    tpu.wait_indirect_dma semaphore(%arg14 : memref<!tpu.dma_semaphore, #tpu.memory_space<semaphore_mem>>) src(%dma_wait3A_18 : memref<10240x128xf32, #tpu.memory_space<hbm>>) dst(%arg12 : memref<32x128xf32, #tpu.memory_space<vmem>>)
    "tpu.region"() ({
      %run_scoped3A = tpu.sem_alloc : memref<!tpu.dma_semaphore, #tpu.memory_space<semaphore_mem>>
      %dma_start3A_25 = arith.constant 0 : i32
      %dma_start3A_26 = tpu.memref_slice %arg9[%mul3A_2, %dma_start3A_25] : memref<1024x128xf32, #tpu.memory_space<hbm>> -> memref<32x128xf32, #tpu.memory_space<hbm>>
      %dma_start3A_27 = arith.constant 0 : i32
      %dma_start3A_28 = tpu.memref_slice %arg9[%mul3A_2, %dma_start3A_27] : memref<1024x128xf32, #tpu.memory_space<hbm>> -> memref<32x128xf32, #tpu.memory_space<hbm>>
      tpu.enqueue_dma source(%arg12 : memref<32x128xf32, #tpu.memory_space<vmem>>) target(%dma_start3A_28 : memref<32x128xf32, #tpu.memory_space<hbm>>) target_semaphore(%run_scoped3A : memref<!tpu.dma_semaphore, #tpu.memory_space<semaphore_mem>>)
      %dma_wait3A_29 = arith.constant 0 : i32
      %dma_wait3A_30 = tpu.memref_slice %arg9[%mul3A_2, %dma_wait3A_29] : memref<1024x128xf32, #tpu.memory_space<hbm>> -> memref<32x128xf32, #tpu.memory_space<hbm>>
      %dma_wait3A_31 = arith.constant 0 : i32
      %dma_wait3A_32 = tpu.memref_slice %arg9[%mul3A_2, %dma_wait3A_31] : memref<1024x128xf32, #tpu.memory_space<hbm>> -> memref<32x128xf32, #tpu.memory_space<hbm>>
      tpu.wait_dma2 semaphore(%run_scoped3A : memref<!tpu.dma_semaphore, #tpu.memory_space<semaphore_mem>>) src(%arg12 : memref<32x128xf32, #tpu.memory_space<vmem>>) dst(%dma_wait3A_32 : memref<32x128xf32, #tpu.memory_space<hbm>>)
      tpu.yield
    }) : () -> ()
    %dma_start3A_19 = arith.constant 0 : i32
    %dma_start3A_20 = arith.constant 0 : i32
    %dma_start3A_21 = tpu.memref_slice %arg5[%dma_start3A_19, %dma_start3A_20] : memref<10240x128xf32, #tpu.memory_space<hbm>> -> memref<10240x128xf32, #tpu.memory_space<hbm>>
    tpu.enqueue_indirect_dma source(%dma_start3A_21 : memref<10240x128xf32, #tpu.memory_space<hbm>>) target(%arg13 : memref<32x128xf32, #tpu.memory_space<vmem>>) offsets(%arg11 : memref<32xi32, #tpu.memory_space<vmem>>) semaphore(%arg14 : memref<!tpu.dma_semaphore, #tpu.memory_space<semaphore_mem>>)
    %dma_wait3A_22 = arith.constant 0 : i32
    %dma_wait3A_23 = arith.constant 0 : i32
    %dma_wait3A_24 = tpu.memref_slice %arg5[%dma_wait3A_22, %dma_wait3A_23] : memref<10240x128xf32, #tpu.memory_space<hbm>> -> memref<10240x128xf32, #tpu.memory_space<hbm>>
    tpu.wait_indirect_dma semaphore(%arg14 : memref<!tpu.dma_semaphore, #tpu.memory_space<semaphore_mem>>) src(%dma_wait3A_24 : memref<10240x128xf32, #tpu.memory_space<hbm>>) dst(%arg13 : memref<32x128xf32, #tpu.memory_space<vmem>>)
    "tpu.region"() ({
      %run_scoped3A = tpu.sem_alloc : memref<!tpu.dma_semaphore, #tpu.memory_space<semaphore_mem>>
      %dma_start3A_25 = arith.constant 0 : i32
      %dma_start3A_26 = tpu.memref_slice %arg10[%mul3A_2, %dma_start3A_25] : memref<1024x128xf32, #tpu.memory_space<hbm>> -> memref<32x128xf32, #tpu.memory_space<hbm>>
      %dma_start3A_27 = arith.constant 0 : i32
      %dma_start3A_28 = tpu.memref_slice %arg10[%mul3A_2, %dma_start3A_27] : memref<1024x128xf32, #tpu.memory_space<hbm>> -> memref<32x128xf32, #tpu.memory_space<hbm>>
      tpu.enqueue_dma source(%arg13 : memref<32x128xf32, #tpu.memory_space<vmem>>) target(%dma_start3A_28 : memref<32x128xf32, #tpu.memory_space<hbm>>) target_semaphore(%run_scoped3A : memref<!tpu.dma_semaphore, #tpu.memory_space<semaphore_mem>>)
      %dma_wait3A_29 = arith.constant 0 : i32
      %dma_wait3A_30 = tpu.memref_slice %arg10[%mul3A_2, %dma_wait3A_29] : memref<1024x128xf32, #tpu.memory_space<hbm>> -> memref<32x128xf32, #tpu.memory_space<hbm>>
      %dma_wait3A_31 = arith.constant 0 : i32
      %dma_wait3A_32 = tpu.memref_slice %arg10[%mul3A_2, %dma_wait3A_31] : memref<1024x128xf32, #tpu.memory_space<hbm>> -> memref<32x128xf32, #tpu.memory_space<hbm>>
      tpu.wait_dma2 semaphore(%run_scoped3A : memref<!tpu.dma_semaphore, #tpu.memory_space<semaphore_mem>>) src(%arg13 : memref<32x128xf32, #tpu.memory_space<vmem>>) dst(%dma_wait3A_32 : memref<32x128xf32, #tpu.memory_space<hbm>>)
      tpu.yield
    }) : () -> ()
    return
  }
}

module attributes {stable_mosaic.version = 14 : i64} {
  func.func @_layer1_body(%arg0: i32, %arg1: memref<1024x128xf32, #tpu.memory_space<vmem>>, %arg2: memref<2x1024x128xf32, #tpu.memory_space<vmem>>, %arg3: memref<1024x2xf32, #tpu.memory_space<vmem>>, %arg4: memref<128x128xf32, #tpu.memory_space<vmem>>, %arg5: memref<1x128xf32, #tpu.memory_space<vmem>>, %arg6: memref<128x128xf32, #tpu.memory_space<vmem>>, %arg7: memref<1024x128xf32, #tpu.memory_space<vmem>>, %arg8: memref<1024x128xf32, #tpu.memory_space<vmem>>) attributes {dimension_semantics = [#tpu.dimension_semantics<arbitrary>], iteration_bounds = array<i64: 10>, scalar_prefetch = 0 : i64, scratch_operands = 0 : i64, tpu.core_type = #tpu.core_type<tc>, window_params = [{transform_indices = @transform_0, window_bounds = array<i64: 1024, 128>}, {transform_indices = @transform_1, window_bounds = array<i64: 2, 1024, 128>}, {transform_indices = @transform_2, window_bounds = array<i64: 1024, 2>}, {pipeline_mode = #tpu.pipeline_mode<synchronous>, transform_indices = @transform_3, window_bounds = array<i64: 128, 128>}, {pipeline_mode = #tpu.pipeline_mode<synchronous>, transform_indices = @transform_4, window_bounds = array<i64: 1, 128>}, {pipeline_mode = #tpu.pipeline_mode<synchronous>, transform_indices = @transform_5, window_bounds = array<i64: 128, 128>}, {transform_indices = @transform_6, window_bounds = array<i64: 1024, 128>}, {transform_indices = @transform_7, window_bounds = array<i64: 1024, 128>}]} {
    %get3A = arith.constant 0 : index
    %get3A_0 = arith.constant 0 : index
    %get3A_1 = vector.load %arg3[%get3A, %get3A_0] : memref<1024x2xf32, #tpu.memory_space<vmem>>, vector<1024x1xf32>
    %get3A_2 = arith.constant 0 : index
    %get3A_3 = arith.constant 1 : index
    %get3A_4 = vector.load %arg3[%get3A_2, %get3A_3] : memref<1024x2xf32, #tpu.memory_space<vmem>>, vector<1024x1xf32>
    %add3A = arith.addf %get3A_1, %get3A_4 : vector<1024x1xf32>
    %max3A = arith.constant 1.000000e+00 : f32
    %max3A_5 = vector.broadcast %max3A : f32 to vector<1024x1xf32>
    %max3A_6 = arith.maximumf %add3A, %max3A_5 : vector<1024x1xf32>
    %div3A = arith.constant 1.000000e+00 : f32
    %div3A_7 = vector.broadcast %div3A : f32 to vector<1024x1xf32>
    %div3A_8 = arith.divf %div3A_7, %max3A_6 : vector<1024x1xf32>
    %get3A_9 = arith.constant 0 : index
    %get3A_10 = arith.constant 0 : index
    %get3A_11 = arith.constant 0 : index
    %get3A_12 = vector.load %arg2[%get3A_9, %get3A_10, %get3A_11] : memref<2x1024x128xf32, #tpu.memory_space<vmem>>, vector<1x1024x128xf32>
    %get3A_13 = vector.shape_cast %get3A_12 : vector<1x1024x128xf32> to vector<1024x128xf32>
    %get3A_14 = arith.constant 1 : index
    %get3A_15 = arith.constant 0 : index
    %get3A_16 = arith.constant 0 : index
    %get3A_17 = vector.load %arg2[%get3A_14, %get3A_15, %get3A_16] : memref<2x1024x128xf32, #tpu.memory_space<vmem>>, vector<1x1024x128xf32>
    %get3A_18 = vector.shape_cast %get3A_17 : vector<1x1024x128xf32> to vector<1024x128xf32>
    %add3A_19 = arith.addf %get3A_13, %get3A_18 : vector<1024x128xf32>
    %mul3A = vector.broadcast %div3A_8 : vector<1024x1xf32> to vector<1024x128xf32>
    %mul3A_20 = arith.mulf %add3A_19, %mul3A : vector<1024x128xf32>
    %get3A_21 = arith.constant 0 : index
    %get3A_22 = arith.constant 0 : index
    %get3A_23 = vector.load %arg4[%get3A_21, %get3A_22] : memref<128x128xf32, #tpu.memory_space<vmem>>, vector<128x128xf32>
    %dot_general3A = arith.constant dense<0.000000e+00> : vector<1024x128xf32>
    %dot_general3A_24 = tpu.matmul %mul3A_20, %get3A_23, %dot_general3A {dimension_numbers = #tpu.dot_dimension_numbers<[1], [0], [0], [1], [0, 0, 1, 1], [], []>, precision = #tpu.contract_precision<fp32>, transpose_lhs_hint = false} : vector<1024x128xf32>, vector<128x128xf32>, vector<1024x128xf32> -> vector<1024x128xf32>
    %get3A_25 = arith.constant 0 : index
    %get3A_26 = arith.constant 0 : index
    %get3A_27 = vector.load %arg1[%get3A_25, %get3A_26] : memref<1024x128xf32, #tpu.memory_space<vmem>>, vector<1024x128xf32>
    %get3A_28 = arith.constant 0 : index
    %get3A_29 = arith.constant 0 : index
    %get3A_30 = vector.load %arg6[%get3A_28, %get3A_29] : memref<128x128xf32, #tpu.memory_space<vmem>>, vector<128x128xf32>
    %dot_general3A_31 = arith.constant dense<0.000000e+00> : vector<1024x128xf32>
    %dot_general3A_32 = tpu.matmul %get3A_27, %get3A_30, %dot_general3A_31 {dimension_numbers = #tpu.dot_dimension_numbers<[1], [0], [0], [1], [0, 0, 1, 1], [], []>, precision = #tpu.contract_precision<fp32>, transpose_lhs_hint = false} : vector<1024x128xf32>, vector<128x128xf32>, vector<1024x128xf32> -> vector<1024x128xf32>
    %add3A_33 = arith.addf %dot_general3A_24, %dot_general3A_32 : vector<1024x128xf32>
    %get3A_34 = arith.constant 0 : index
    %get3A_35 = arith.constant 0 : index
    %get3A_36 = vector.load %arg5[%get3A_34, %get3A_35] : memref<1x128xf32, #tpu.memory_space<vmem>>, vector<1x128xf32>
    %add3A_37 = vector.broadcast %get3A_36 : vector<1x128xf32> to vector<1024x128xf32>
    %add3A_38 = arith.addf %add3A_33, %add3A_37 : vector<1024x128xf32>
    %max3A_39 = arith.constant 0.000000e+00 : f32
    %max3A_40 = vector.broadcast %max3A_39 : f32 to vector<1024x128xf32>
    %max3A_41 = arith.maximumf %add3A_38, %max3A_40 : vector<1024x128xf32>
    %swap3A = arith.constant 0 : index
    %swap3A_42 = arith.constant 0 : index
    %swap3A_43 = vector.load %arg7[%swap3A, %swap3A_42] : memref<1024x128xf32, #tpu.memory_space<vmem>>, vector<1024x128xf32>
    tpu.vector_store %arg7[%swap3A, %swap3A_42], %max3A_41 {strides = array<i32>} : memref<1024x128xf32, #tpu.memory_space<vmem>>, vector<1024x128xf32>,
    %broadcast_in_dim3A = vector.shape_cast %div3A_8 : vector<1024x1xf32> to vector<1024x1xf32>
    %broadcast_in_dim3A_44 = vector.broadcast %broadcast_in_dim3A : vector<1024x1xf32> to vector<1024x128xf32>
    %swap3A_45 = arith.constant 0 : index
    %swap3A_46 = arith.constant 0 : index
    %swap3A_47 = vector.load %arg8[%swap3A_45, %swap3A_46] : memref<1024x128xf32, #tpu.memory_space<vmem>>, vector<1024x128xf32>
    tpu.vector_store %arg8[%swap3A_45, %swap3A_46], %broadcast_in_dim3A_44 {strides = array<i32>} : memref<1024x128xf32, #tpu.memory_space<vmem>>, vector<1024x128xf32>,
    return
  }
  func.func @transform_0(%arg0: i32) -> (i32, i32) {
    %c0_i32 = arith.constant 0 : i32
    %c0_i32_0 = arith.constant 0 : i32
    return %arg0, %c0_i32 : i32, i32
  }
  func.func @transform_1(%arg0: i32) -> (i32, i32, i32) {
    %c0_i32 = arith.constant 0 : i32
    %c0_i32_0 = arith.constant 0 : i32
    %c0_i32_1 = arith.constant 0 : i32
    return %c0_i32, %arg0, %c0_i32_0 : i32, i32, i32
  }
  func.func @transform_2(%arg0: i32) -> (i32, i32) {
    %c0_i32 = arith.constant 0 : i32
    %c0_i32_0 = arith.constant 0 : i32
    return %arg0, %c0_i32 : i32, i32
  }
  func.func @transform_3(%arg0: i32) -> (i32, i32) {
    %c0_i32 = arith.constant 0 : i32
    %c0_i32_0 = arith.constant 0 : i32
    %c0_i32_1 = arith.constant 0 : i32
    return %c0_i32, %c0_i32_0 : i32, i32
  }
  func.func @transform_4(%arg0: i32) -> (i32, i32) {
    %c0_i32 = arith.constant 0 : i32
    %c0_i32_0 = arith.constant 0 : i32
    %c0_i32_1 = arith.constant 0 : i32
    return %c0_i32, %c0_i32_0 : i32, i32
  }
  func.func @transform_5(%arg0: i32) -> (i32, i32) {
    %c0_i32 = arith.constant 0 : i32
    %c0_i32_0 = arith.constant 0 : i32
    %c0_i32_1 = arith.constant 0 : i32
    return %c0_i32, %c0_i32_0 : i32, i32
  }
  func.func @transform_6(%arg0: i32) -> (i32, i32) {
    %c0_i32 = arith.constant 0 : i32
    %c0_i32_0 = arith.constant 0 : i32
    return %arg0, %c0_i32 : i32, i32
  }
  func.func @transform_7(%arg0: i32) -> (i32, i32) {
    %c0_i32 = arith.constant 0 : i32
    %c0_i32_0 = arith.constant 0 : i32
    return %arg0, %c0_i32 : i32, i32
  }
}

module attributes {stable_mosaic.version = 14 : i64} {
  func.func @_head_body(%arg0: memref<1024x128xf32, #tpu.memory_space<vmem>>, %arg1: memref<1024x128xf32, #tpu.memory_space<vmem>>, %arg2: memref<1024x128xf32, #tpu.memory_space<vmem>>, %arg3: memref<1024x128xf32, #tpu.memory_space<vmem>>, %arg4: memref<1024x128xf32, #tpu.memory_space<vmem>>, %arg5: memref<128x128xf32, #tpu.memory_space<vmem>>, %arg6: memref<1x128xf32, #tpu.memory_space<vmem>>, %arg7: memref<128x128xf32, #tpu.memory_space<vmem>>, %arg8: memref<128x128xf32, #tpu.memory_space<vmem>>, %arg9: memref<128x128xf32, #tpu.memory_space<vmem>>, %arg10: memref<1x128xf32, #tpu.memory_space<vmem>>, %arg11: memref<128x64xf32, #tpu.memory_space<vmem>>, %arg12: memref<1x64xf32, #tpu.memory_space<vmem>>, %arg13: memref<64x1xf32, #tpu.memory_space<vmem>>, %arg14: memref<1x1xf32, #tpu.memory_space<vmem>>, %arg15: memref<1024x1xf32, #tpu.memory_space<vmem>>) attributes {dimension_semantics = [], scalar_prefetch = 0 : i64, scratch_operands = 0 : i64, tpu.core_type = #tpu.core_type<tc>} {
    %get3A = arith.constant 0 : index
    %get3A_0 = arith.constant 0 : index
    %get3A_1 = vector.load %arg1[%get3A, %get3A_0] : memref<1024x128xf32, #tpu.memory_space<vmem>>, vector<1024x128xf32>
    %get3A_2 = arith.constant 0 : index
    %get3A_3 = arith.constant 0 : index
    %get3A_4 = vector.load %arg2[%get3A_2, %get3A_3] : memref<1024x128xf32, #tpu.memory_space<vmem>>, vector<1024x128xf32>
    %add3A = arith.addf %get3A_1, %get3A_4 : vector<1024x128xf32>
    %get3A_5 = arith.constant 0 : index
    %get3A_6 = arith.constant 0 : index
    %get3A_7 = vector.load %arg3[%get3A_5, %get3A_6] : memref<1024x128xf32, #tpu.memory_space<vmem>>, vector<1024x1xf32>
    %mul3A = vector.broadcast %get3A_7 : vector<1024x1xf32> to vector<1024x128xf32>
    %mul3A_8 = arith.mulf %add3A, %mul3A : vector<1024x128xf32>
    %get3A_9 = arith.constant 0 : index
    %get3A_10 = arith.constant 0 : index
    %get3A_11 = vector.load %arg5[%get3A_9, %get3A_10] : memref<128x128xf32, #tpu.memory_space<vmem>>, vector<128x128xf32>
    %dot_general3A = arith.constant dense<0.000000e+00> : vector<1024x128xf32>
    %dot_general3A_12 = tpu.matmul %mul3A_8, %get3A_11, %dot_general3A {dimension_numbers = #tpu.dot_dimension_numbers<[1], [0], [0], [1], [0, 0, 1, 1], [], []>, precision = #tpu.contract_precision<fp32>, transpose_lhs_hint = false} : vector<1024x128xf32>, vector<128x128xf32>, vector<1024x128xf32> -> vector<1024x128xf32>
    %get3A_13 = arith.constant 0 : index
    %get3A_14 = arith.constant 0 : index
    %get3A_15 = vector.load %arg0[%get3A_13, %get3A_14] : memref<1024x128xf32, #tpu.memory_space<vmem>>, vector<1024x128xf32>
    %get3A_16 = arith.constant 0 : index
    %get3A_17 = arith.constant 0 : index
    %get3A_18 = vector.load %arg7[%get3A_16, %get3A_17] : memref<128x128xf32, #tpu.memory_space<vmem>>, vector<128x128xf32>
    %dot_general3A_19 = arith.constant dense<0.000000e+00> : vector<1024x128xf32>
    %dot_general3A_20 = tpu.matmul %get3A_15, %get3A_18, %dot_general3A_19 {dimension_numbers = #tpu.dot_dimension_numbers<[1], [0], [0], [1], [0, 0, 1, 1], [], []>, precision = #tpu.contract_precision<fp32>, transpose_lhs_hint = false} : vector<1024x128xf32>, vector<128x128xf32>, vector<1024x128xf32> -> vector<1024x128xf32>
    %add3A_21 = arith.addf %dot_general3A_12, %dot_general3A_20 : vector<1024x128xf32>
    %get3A_22 = arith.constant 0 : index
    %get3A_23 = arith.constant 0 : index
    %get3A_24 = vector.load %arg6[%get3A_22, %get3A_23] : memref<1x128xf32, #tpu.memory_space<vmem>>, vector<1x128xf32>
    %add3A_25 = vector.broadcast %get3A_24 : vector<1x128xf32> to vector<1024x128xf32>
    %add3A_26 = arith.addf %add3A_21, %add3A_25 : vector<1024x128xf32>
    %get3A_27 = arith.constant 0 : index
    %get3A_28 = arith.constant 0 : index
    %get3A_29 = vector.load %arg8[%get3A_27, %get3A_28] : memref<128x128xf32, #tpu.memory_space<vmem>>, vector<128x128xf32>
    %dot_general3A_30 = arith.constant dense<0.000000e+00> : vector<1024x128xf32>
    %dot_general3A_31 = tpu.matmul %add3A_26, %get3A_29, %dot_general3A_30 {dimension_numbers = #tpu.dot_dimension_numbers<[1], [0], [0], [1], [0, 0, 1, 1], [], []>, precision = #tpu.contract_precision<fp32>, transpose_lhs_hint = false} : vector<1024x128xf32>, vector<128x128xf32>, vector<1024x128xf32> -> vector<1024x128xf32>
    %get3A_32 = arith.constant 0 : index
    %get3A_33 = arith.constant 0 : index
    %get3A_34 = vector.load %arg4[%get3A_32, %get3A_33] : memref<1024x128xf32, #tpu.memory_space<vmem>>, vector<1024x128xf32>
    %get3A_35 = arith.constant 0 : index
    %get3A_36 = arith.constant 0 : index
    %get3A_37 = vector.load %arg9[%get3A_35, %get3A_36] : memref<128x128xf32, #tpu.memory_space<vmem>>, vector<128x128xf32>
    %dot_general3A_38 = arith.constant dense<0.000000e+00> : vector<1024x128xf32>
    %dot_general3A_39 = tpu.matmul %get3A_34, %get3A_37, %dot_general3A_38 {dimension_numbers = #tpu.dot_dimension_numbers<[1], [0], [0], [1], [0, 0, 1, 1], [], []>, precision = #tpu.contract_precision<fp32>, transpose_lhs_hint = false} : vector<1024x128xf32>, vector<128x128xf32>, vector<1024x128xf32> -> vector<1024x128xf32>
    %add3A_40 = arith.addf %dot_general3A_31, %dot_general3A_39 : vector<1024x128xf32>
    %get3A_41 = arith.constant 0 : index
    %get3A_42 = arith.constant 0 : index
    %get3A_43 = vector.load %arg10[%get3A_41, %get3A_42] : memref<1x128xf32, #tpu.memory_space<vmem>>, vector<1x128xf32>
    %add3A_44 = vector.broadcast %get3A_43 : vector<1x128xf32> to vector<1024x128xf32>
    %add3A_45 = arith.addf %add3A_40, %add3A_44 : vector<1024x128xf32>
    %gt3A = arith.constant 0.000000e+00 : f32
    %gt3A_46 = vector.broadcast %gt3A : f32 to vector<1024x128xf32>
    %gt3A_47 = arith.cmpf ogt, %add3A_45, %gt3A_46 : vector<1024x128xf32>
    %mul3A_48 = arith.constant 1.000000e-01 : f32
    %mul3A_49 = vector.broadcast %mul3A_48 : f32 to vector<1024x128xf32>
    %mul3A_50 = arith.mulf %mul3A_49, %add3A_45 : vector<1024x128xf32>
    %select_n3A = arith.select %gt3A_47, %add3A_45, %mul3A_50 : vector<1024x128xi1>, vector<1024x128xf32>
    %get3A_51 = arith.constant 0 : index
    %get3A_52 = arith.constant 0 : index
    %get3A_53 = vector.load %arg11[%get3A_51, %get3A_52] : memref<128x64xf32, #tpu.memory_space<vmem>>, vector<128x64xf32>
    %dot_general3A_54 = arith.constant dense<0.000000e+00> : vector<1024x64xf32>
    %dot_general3A_55 = tpu.matmul %select_n3A, %get3A_53, %dot_general3A_54 {dimension_numbers = #tpu.dot_dimension_numbers<[1], [0], [0], [1], [0, 0, 1, 1], [], []>, precision = #tpu.contract_precision<fp32>, transpose_lhs_hint = false} : vector<1024x128xf32>, vector<128x64xf32>, vector<1024x64xf32> -> vector<1024x64xf32>
    %get3A_56 = arith.constant 0 : index
    %get3A_57 = arith.constant 0 : index
    %get3A_58 = vector.load %arg12[%get3A_56, %get3A_57] : memref<1x64xf32, #tpu.memory_space<vmem>>, vector<1x64xf32>
    %add3A_59 = vector.broadcast %get3A_58 : vector<1x64xf32> to vector<1024x64xf32>
    %add3A_60 = arith.addf %dot_general3A_55, %add3A_59 : vector<1024x64xf32>
    %gt3A_61 = arith.constant 0.000000e+00 : f32
    %gt3A_62 = vector.broadcast %gt3A_61 : f32 to vector<1024x64xf32>
    %gt3A_63 = arith.cmpf ogt, %add3A_60, %gt3A_62 : vector<1024x64xf32>
    %mul3A_64 = arith.constant 5.000000e-02 : f32
    %mul3A_65 = vector.broadcast %mul3A_64 : f32 to vector<1024x64xf32>
    %mul3A_66 = arith.mulf %mul3A_65, %add3A_60 : vector<1024x64xf32>
    %select_n3A_67 = arith.select %gt3A_63, %add3A_60, %mul3A_66 : vector<1024x64xi1>, vector<1024x64xf32>
    %get3A_68 = arith.constant 0 : index
    %get3A_69 = arith.constant 0 : index
    %get3A_70 = vector.load %arg13[%get3A_68, %get3A_69] : memref<64x1xf32, #tpu.memory_space<vmem>>, vector<64x1xf32>
    %dot_general3A_71 = arith.constant dense<0.000000e+00> : vector<1024x1xf32>
    %dot_general3A_72 = tpu.matmul %select_n3A_67, %get3A_70, %dot_general3A_71 {dimension_numbers = #tpu.dot_dimension_numbers<[1], [0], [0], [1], [0, 0, 1, 1], [], []>, precision = #tpu.contract_precision<fp32>, transpose_lhs_hint = false} : vector<1024x64xf32>, vector<64x1xf32>, vector<1024x1xf32> -> vector<1024x1xf32>
    %get3A_73 = arith.constant 0 : index
    %get3A_74 = arith.constant 0 : index
    %get3A_75 = vector.load %arg14[%get3A_73, %get3A_74] : memref<1x1xf32, #tpu.memory_space<vmem>>, vector<1x1xf32>
    %add3A_76 = vector.broadcast %get3A_75 : vector<1x1xf32> to vector<1024x1xf32>
    %add3A_77 = arith.addf %dot_general3A_72, %add3A_76 : vector<1024x1xf32>
    %swap3A = arith.constant 0 : index
    %swap3A_78 = arith.constant 0 : index
    %swap3A_79 = vector.load %arg15[%swap3A, %swap3A_78] : memref<1024x1xf32, #tpu.memory_space<vmem>>, vector<1024x1xf32>
    tpu.vector_store %arg15[%swap3A, %swap3A_78], %add3A_77 {strides = array<i32>} : memref<1024x1xf32, #tpu.memory_space<vmem>>, vector<1024x1xf32>,
    return
  }
}

</mosaic_0001>

<sc_bundles>
// kernel: kernel.10.cloned.1.call-start
scs
__scs_entry_jumppad:
0x0: {  	(pc) =	sbr.rel $0x88, $3  }
0x1: {  	(tag) =	ssettag $0x0;
	lr =	simm.s32 $0x1  }
0x2: {  	[smem:$0x3F91] =	sst lr;
	_ =	strace $0xD0000000  }
0x3: {  	_ = 	snop  }
0x4: {  	_ = 	snop  }
0x5: {  	_ = 	snop  }
0x6: {  	_ = 	snop  }
0x7: {  	_ = 	snop  }
__scs_overlays_trampoline_lowered:
0x8: {  	[smem:$0x3FA0] =	sst s0  }
0x9: {  	[smem:$0x3FA1] =	sst s1  }
0xa: {  	[smem:$0x3FA2] =	sst s2  }
0xb: {  	[smem:$0x3FA3] =	sst s3  }
0xc: {  	[smem:$0x3FA4] =	sst s4  }
0xd: {  	[smem:$0x3FA5] =	sst s5  }
0xe: {  	[smem:$0x3FA6] =	sst s6  }
0xf: {  	[smem:$0x3FA7] =	sst s7  }
0x10: {  	[smem:$0x3FA8] =	sst s8  }
0x11: {  	[smem:$0x3FA9] =	sst s9;
	s0 =	simm.s32 @!p0 $0x0  }
0x12: {  	s1 =	sld [smem:$0x3F8F];
	s0 =	simm.s32 @p0 $0x1  }
0x13: {  	[smem:$0x3FAA] =	sst s0;
	s0 =	simm.s32 @!p1 $0x0  }
0x14: {  	s2 =	sld [smem:$0x3F8E];
	s0 =	simm.s32 @p1 $0x1  }
0x15: {  	[smem:$0x3FAB] =	sst s0;
	s0 =	simm.s32 @!p2 $0x0  }
0x16: {  	s3 =	sld [smem:$0x3FDB];
	s0 =	simm.s32 @p2 $0x1  }
0x17: {  	s4 =	simm.s32 $0x1BF5;
	[smem:$0x3FAD] =	sst s0  }
0x18: {  	s0 =	sld [smem:$0x3F90];
	_ =	swait.ge [sflag:s4], $0x0  }
0x19: {  	s7 =	sld [smem:$0x3F91]  }
0x1a: {  	s8 =	sadd.s32 $0xFFFFE003, lr  }
0x1b: {  	s9 =	sadd.s32 $0xFFFFFEF7, lr;
	s5 =	simm.s32 $0xFFFFFFFF;
	p2 =	slt.u32 s8, $0xFFFFF086  }
0x1c: {  	p1 =	slt.u32 s9, $0xF7A;
	s5 =	simm.s32 @!p2 $0x0  }
0x1d: {  	s5 =	simm.s32 @p1 $0x1;
	p0 =	seq.s32 s7, s2  }
0x1e: {  	s7 =	smul.u32 @!p0 $0xF7A, s2;
	p2 =	seq.s32 @!p0 s5, $0x0  }
0x1f: {  	s9 =	smul.u32 $0xF7A, s1;
	s8 =	simm.s32 @!p0 $0x1BF5;
	p2 =	por !p2, p0  }
0x20: {  	[sflag:s8] =	ssyncset.s32 @!p0 $0xFFFFF086;
	s6 =	sadd.s32 @!p0 s3, s7;
	s7 =	simm.s32 @!p0 $0x108  }
0x21: {  	s3 =	sadd.s32 s3, s9;
	s6 =	sadd.s32 @!p0 $0x88, s6;
	s7 =	simm.s32 @p2 $0x1082  }
0x22: {  	[simem:s7], [sflag:s8] =	dma.local @!p0 [hbm:s6], $0xF7A  }
0x23: {  	s9 =	sor.u32 $0xD0000000, s2;
	s6 =	simm.s32 $0x108;
	_ =	swait.ge @!p0 [sflag:s8], $0x0  }
0x24: {  	s3 =	sadd.s32 $0x88, s3;
	s6 =	simm.s32 @!p1 $0x1082;
	[sflag:s4] =	ssyncset.s32 $0xFFFFF086  }
0x25: {  	[simem:s6], [sflag:s4] =	dma.local [hbm:s3], $0xF7A  }
0x26: {  	[smem:$0x3F91] =	sst s1;
	(tag) =	ssettag s2;
	_ =	strace s9  }
0x27: {  	s1 =	sld [smem:$0x3FA1]  }
0x28: {  	s2 =	sld [smem:$0x3FA2]  }
0x29: {  	s4 =	sld [smem:$0x3FA4]  }
0x2a: {  	p0 =	seq.s32 s5, $0x0;
	s5 =	sld [smem:$0x3FA5]  }
0x2b: {  	s6 =	sld [smem:$0x3FA6]  }
0x2c: {  	s7 =	sld [smem:$0x3FA7]  }
0x2d: {  	s3 =	simm.s32 $0x108;
	s8 =	sld [smem:$0x3FA8]  }
0x2e: {  	s3 =	simm.s32 @!p0 $0x1082;
	s9 =	sld [smem:$0x3FA9]  }
0x2f: {  	lr =	sadd.s32 s0, s3;
	s0 =	sld [smem:$0x3FA0]  }
0x30: {  	s3 =	sld [smem:$0x3FA3]  }
0x31: {  	[smem:$0x3FAC] =	sst s10  }
0x32: {  	s10 =	sld [smem:$0x3FAA];
	_ =	sdelay $0x3  }
0x33: {  	p0 =	seq.s32 s10, $0x1;
	s10 =	sld [smem:$0x3FAC];
	_ =	sdelay $0x3  }
0x34: {  	[smem:$0x3FAC] =	sst s10  }
0x35: {  	s10 =	sld [smem:$0x3FAB];
	_ =	sdelay $0x3  }
0x36: {  	p1 =	seq.s32 s10, $0x1;
	s10 =	sld [smem:$0x3FAC];
	_ =	sdelay $0x3  }
0x37: {  	[smem:$0x3FAC] =	sst s10  }
0x38: {  	s10 =	sld [smem:$0x3FAD]  }
0x39: {  	_ = 	snop;
	(pc) =	sbr.ind lr, $3  }
0x3a: {  	_ = 	snop  }
0x3b: {  	_ = 	snop  }
0x3c: {  	p2 =	seq.s32 s10, $0x1;
	s10 =	sld [smem:$0x3FAC]  }
0x3d: {  	_ =	shalt  }
0x3e: {  	_ =	shalt  }
0x3f: {  	_ =	shalt  }
0x40: {  	_ =	shalt  }
0x41: {  	_ =	shalt  }
0x42: {  	_ =	shalt  }
0x43: {  	_ =	shalt  }
0x44: {  	_ =	shalt  }
0x45: {  	_ =	shalt  }
0x46: {  	_ =	shalt  }
0x47: {  	_ =	shalt  }
0x48: {  	_ =	shalt  }
0x49: {  	_ =	shalt  }
0x4a: {  	_ =	shalt  }
0x4b: {  	_ =	shalt  }
0x4c: {  	_ =	shalt  }
0x4d: {  	_ =	shalt  }
0x4e: {  	_ =	shalt  }
0x4f: {  	_ =	shalt  }
0x50: {  	_ =	shalt  }
0x51: {  	_ =	shalt  }
0x52: {  	_ =	shalt  }
0x53: {  	_ =	shalt  }
0x54: {  	_ =	shalt  }
0x55: {  	_ =	shalt  }
0x56: {  	_ =	shalt  }
0x57: {  	_ =	shalt  }
0x58: {  	_ =	shalt  }
0x59: {  	_ =	shalt  }
0x5a: {  	_ =	shalt  }
0x5b: {  	_ =	shalt  }
0x5c: {  	_ =	shalt  }
0x5d: {  	_ =	shalt  }
0x5e: {  	_ =	shalt  }
0x5f: {  	_ =	shalt  }
0x60: {  	_ =	shalt  }
0x61: {  	_ =	shalt  }
0x62: {  	_ =	shalt  }
0x63: {  	_ =	shalt  }
0x64: {  	_ =	shalt  }
0x65: {  	_ =	shalt  }
0x66: {  	_ =	shalt  }
0x67: {  	_ =	shalt  }
0x68: {  	_ =	shalt  }
0x69: {  	_ =	shalt  }
0x6a: {  	_ =	shalt  }
0x6b: {  	_ =	shalt  }
0x6c: {  	_ =	shalt  }
0x6d: {  	_ =	shalt  }
0x6e: {  	_ =	shalt  }
0x6f: {  	_ =	shalt  }
0x70: {  	_ =	shalt  }
0x71: {  	_ =	shalt  }
0x72: {  	_ =	shalt  }
0x73: {  	_ =	shalt  }
0x74: {  	_ =	shalt  }
0x75: {  	_ =	shalt  }
0x76: {  	_ =	shalt  }
0x77: {  	_ =	shalt  }
0x78: {  	_ =	shalt  }
0x79: {  	_ =	shalt  }
0x7a: {  	_ =	shalt  }
0x7b: {  	_ =	shalt  }
0x7c: {  	_ =	shalt  }
0x7d: {  	_ =	shalt  }
0x7e: {  	_ =	shalt  }
0x7f: {  	_ =	shalt  }
0x80: {  	_ =	shalt  }
0x81: {  	_ =	shalt  }
0x82: {  	_ =	shalt  }
0x83: {  	_ =	shalt  }
0x84: {  	_ =	shalt  }
0x85: {  	_ =	shalt  }
0x86: {  	_ =	shalt  }
0x87: {  	_ =	shalt  }
.Lfunc_end0:
.L_simem_size_0:
called_computation.1_lowered:
.L_overlay_start_0:
0x88: {  	s2 =	sld [smem:$0x3FD9]  }
0x89: {  	s3 =	sld [smem:$0x3FFE];
	_ =	sdelay $0x1  }
0x8a: {  	s1 =	srdreg.scid  }
0x8b: {  	s0 =	sand.u32 $0x1, s1  }
0x8c: {  	s16 =	sshll.u32 s0, $0xA;
	s2 =	sadd.s32 s3, s2  }
0x8d: {  	s2 =	sadd.s32 s2, s16  }
0x8e: {  	[smem:$0x3FB8] =	sst s2  }
0x8f: {  	_ = 	snop  }
0x90: {  	(tm) =	ssettm $0x1  }
0x91: {  	s17 =	sld [smem:$0x3FFB];
	_ =	sdelay $0x3  }
0x92: {  	_ =	strace s17  }
0x93: {  	s2 =	sld [smem:$0x3FFC];
	_ =	sdelay $0x3  }
0x94: {  	_ =	strace s2  }
0x95: {  	s2 =	sld [smem:$0x3FFD];
	_ =	sdelay $0x3  }
0x96: {  	_ =	strace s2  }
0x97: {  	_ =	strace $0x8FFFFFFF  }
0x98: {  	s18 =	sld [smem:$0x3FDB];
	_ =	sdelay $0x1  }
0x99: {  	s19 =	simm.s32 $_scs_section_size  }
0x9a: {  	s4 =	simm.s32 $_size__tile_overlayer_lowered;
	s5 =	simm.s32 $_tile_overlayer_lowered  }
0x9b: {  	s22 =	simm.s32 $0x1BFF;
	s21 =	sshll.u32 s5, $0x1;
	s2 =	sadd.s32 s19, s18  }
0x9c: {  	s6 =	simm.s32 $0x0;
	s20 =	sshll.u32 s4, $0x1;
	s4 =	sadd.s32 s21, s2  }
0x9d: {  	[timem:s6], [sflag:s22] =	dma.local [hbm:s4], s20  }
0x9e: {  	_ =	swait.ge [sflag:s22], s20  }
0x9f: {  	s3 =	ssub.s32 $0x0, s20;
	[sflag:s22] =	ssyncset.done $0x0  }
0xa0: {  	[sflag:s22] =	ssyncadd.s32 s3;
	_ =	sdelay $0x1  }
0xa1: {  	s23 =	simm.s32 $0x1B8B  }
0xa2: {  	_ =	swait.ge [sflag:s23], $0x1  }
0xa3: {  	[sflag:s23] =	ssyncset.done $0x0  }
0xa4: {  	s25 =	simm.s32 $0x1B8E;
	s24 =	sld [smem:$0x3FFE];
	[sflag:s23] =	ssyncadd.s32 $0xFFFFFFFF  }
0xa5: {  	s26 =	simm.s32 $execute0_lowered;
	[smem:$0x3FD2] =	sst s25  }
0xa6: {  	s4 =	sshll.u32 s26, $0x1;
	_ =	strace $0x80000049;
	[dreg:$0x1] =	wrdreg $0xFFFFFFFF  }
0xa7: {  	s28 =	simm.s32 $_size_execute0_lowered;
	s2 =	sadd.s32 s2, s4;
	[dreg:$0x0] =	wrdreg $0x0  }
0xa8: {  	s4 =	sshll.u32 s28, $0x1;
	[dreg:$0x2] =	wrdreg s2  }
0xa9: {  	[dreg:$0x3] =	wrdreg s4  }
0xaa: {  	[dreg:$0x4] =	wrdreg $0xC0  }
0xab: {  	_ =	task [dreg:s6], $0x5FFFF  }
0xac: {  	[dreg:$0x1] =	wrdreg $0xFFFFFFFF  }
0xad: {  	[dreg:$0x0] =	wrdreg $0x60  }
0xae: {  	[dreg:$0x2] =	wrdreg s24  }
0xaf: {  	[dreg:$0x3] =	wrdreg $0x29000  }
0xb0: {  	[dreg:$0x4] =	wrdreg $0x9  }
0xb1: {  	_ =	task.clear_ibuf [dreg:s6], $0x5FFFF;
	_ =	strace $0x90000049  }
0xb2: {  	s29 =	simm.s32 $0x9;
	_ =	strace $0x8000004B  }
0xb3: {  	_ =	swait.ge [sflag:s29], $0x1  }
0xb4: {  	[sflag:s29] =	ssyncadd.s32 $0xFFFFFFFF  }
0xb5: {  	_ =	strace $0x9000004B  }
0xb6: {  	_ =	sfence  }
0xb7: {  	s30 =	sld [smem:$0x0];
	_ =	sdelay $0x2  }
0xb8: {  	s31 =	sshll.u32 s1, $0xD;
	s1 =	sshrl.u32 s1, $0x2  }
0xb9: {  	s3 =	sand.u32 $0x4000, s31;
	s1 =	sadd.s32 s1, s30  }
0xba: {  	s0 =	sor.u32 s3, s0;
	s1 =	sshll.u32 s1, $0x11  }
0xbb: {  	s0 =	sor.u32 s1, s0  }
0xbc: {  	s0 =	sadd.s32 $0x8F2B, s0  }
0xbd: {  	[sflag:s0] =	ssyncadd.remote.s32 $0x1  }
0xbe: {  	_ =	sfence.sel $0xFFFF  }
0xbf: {  	[dreg:$0x0] =	wrdreg $0xFFFFFFFF;
	(pc) =	sbr.abs _section_cstart, $3  }
0xc0: {  	[dreg:$0x1] =	wrdreg $0xFFFFFFFF  }
0xc1: {  	_ =	task.clear_ibuf [dreg:s6], $0x2FFFF;
	_ =	strace $0x9FFFFFFF  }
0xc2: {  	(tm) =	ssettm $0x7FFFFFFF  }
0xc3: {  	_ =	shalt  }
tec
execute0_lowered:
.L_overlay_start_1:
0x0: {  	(tag) =	ssettag $0x1  }
0x1: {  	s5 =	rddreg [dreg:$0x0];
	s0 =	srdreg.scid  }
0x2: {  	s2 =	rddreg [dreg:$0x1];
	s1 =	stileid.u32  }
0x3: {  	s3 =	simm.s32 $0x0;
	s13 =	simm.s32 $0x50;
	s7 =	smul.u32 $0x2710, s1  }
0x4: {  	s14 =	simm.s32 $0x100;
	s15 =	simm.s32 $0x1;
	s16 =	smul.u32 $0x2800, s1  }
0x5: {  	s6 =	sand.u32 $0x1, s0;
	s0 =	rddreg [dreg:$0x2];
	s28 =	smul.u32 $0x50000, s1  }
0x6: {  	[smem:$0x7FF] =	sst s3;
	s31 =	sshll.u32 s1, $0x6;
	s4 =	smul.u32 $0x27100, s6  }
0x7: {  	_ =	strace $0x8000004A;
	s8 =	smul.u32 $0x28000, s6;
	s6 =	ssub.s32 $0x2, s6  }
0x8: {  	s10 =	sadd.s32 s16, s5;
	s29 =	sshrl.u32 s6, $0x1;
	s30 =	sshrl.u32 s28, $0x2  }
0x9: {  	s7 =	sadd.s32 s7, s4;
	s4 =	sadd.s32 $0x18000, s5;
	s8 =	sadd.s32 s8, s5  }
0xa: {  	s11 =	ssub.s32 s6, s29;
	s12 =	sadd.s32 s30, s2;
	s7 =	sshrl.u32 s7, $0x3  }
0xb: {  	s6 =	sor.u32 $0x1C02, s31;
	s17 =	sadd.s32 $0x90600, s8;
	s9 =	sadd.s32 s7, s5  }
0xc: {  	s5 =	sadd.s32 $0x40000, s10;
	s7 =	smax.u32 s11, $0x1;
	s10 =	sshrl.u32 s12, $0x3  }
0xd: {  	s11 =	simm.s32 $0x2;
	s12 =	simm.s32 $0x80;
	s16 =	sadd.s32 s16, s17  }
0xe: {  	s17 =	simm.s32 $0x0;
	s8 =	sadd.s32 $0x4400, s9;
	s9 =	sadd.s32 $0xE200, s9  }
.LBB2_1:
0xf: {  	[spmem:s10], [sflag:s6] =	dma.local [hbm:s5], $0x2800  }
0x10: {  	_ =	swait.ge [sflag:s11], $0x2800  }
0x11: {  	[sflag:s11] =	ssyncset.done $0x0  }
0x12: {  	[sflag:s11] =	ssyncadd.s32 $0xFFFFD800  }
0x13: {  	s18 =	sadd.s32 $0x0, s9;
	[bflag:$0x0] =	sbarrier.arrive $0xFFFF  }
0x14: {  	[tilespmem:s3], [sflag:$0x2] =	stream.linear.gather [hbm4b:s18+s3], $0x50, $0x38;
	[tilespmem:$0x16900] =	vst v63  }
0x15: {  	_ =	swait.ge [sflag:s11], $0x50  }
0x16: {  	[sflag:s11] =	ssyncset.done $0x0  }
0x17: {  	s31 =	sadd.s32 $0x0, s8;
	[sflag:s11] =	ssyncadd.s32 $0xFFFFFFB0  }
0x18: {  	[tilespmem:s12], [sflag:$0x2] =	stream.linear.gather [hbm4b:s31+s3], $0x50, $0x38;
	[tilespmem:$0x16900] =	vst v63  }
0x19: {  	_ =	swait.ge [sflag:s11], $0x50  }
0x1a: {  	[sflag:s11] =	ssyncset.done $0x0  }
0x1b: {  	[sflag:s11] =	ssyncadd.s32 $0xFFFFFFB0  }
0x1c: {  	[tilespmem:s14], [sflag:$0x1] =	stream.indirect.gather [hbm4b:s4+s13], $0x80, s3, s13, $0xb8;
	[tilespmem:$0x16900] =	vst v63  }
0x1d: {  	_ =	swait.ge [sflag:s15], $0x2800  }
0x1e: {  	[sflag:s15] =	ssyncset.done $0x0  }
0x1f: {  	[sflag:s15] =	ssyncadd.s32 $0xFFFFD800  }
0x20: {  	[spmem:s2] =	stream.indirect.scatter.add.f32 [tilespmem:s14], [sflag:$0x2], $0x80, s12, s13, $0xb8;
	[tilespmem:$0x16900] =	vst v63  }
0x21: {  	_ =	swait.ge [sflag:s11], $0x2800  }
0x22: {  	s19 =	simm.s32 $0x14;
	s18 =	simm.s32 $0xA;
	[sflag:s11] =	ssyncset.done $0x0  }
.LBB2_2:
0x23: {  	s20 =	sadd.s32 s18, s9  }
0x24: {  	[sflag:s11] =	ssyncadd.s32 $0xFFFFD800;
	s21 =	smov.u32 s19;
	s22 =	sadd.s32 $0xA, s19  }
0x25: {  	[tilespmem:s3], [sflag:$0x2] =	stream.linear.gather [hbm4b:s20+s3], $0x50, $0x38;
	[tilespmem:$0x16900] =	vst v63  }
0x26: {  	p0 =	sne.s32 s19, $0x4D8;
	_ =	swait.ge [sflag:s11], $0x50  }
0x27: {  	[sflag:s11] =	ssyncset.done $0x0  }
0x28: {  	s19 =	sadd.s32 s18, s8;
	s18 =	smov.u32 s21;
	[sflag:s11] =	ssyncadd.s32 $0xFFFFFFB0  }
0x29: {  	[tilespmem:s12], [sflag:$0x2] =	stream.linear.gather [hbm4b:s19+s3], $0x50, $0x38;
	[tilespmem:$0x16900] =	vst v63  }
0x2a: {  	_ =	swait.ge [sflag:s11], $0x50  }
0x2b: {  	[sflag:s11] =	ssyncset.done $0x0  }
0x2c: {  	[sflag:s11] =	ssyncadd.s32 $0xFFFFFFB0  }
0x2d: {  	[tilespmem:s14], [sflag:$0x1] =	stream.indirect.gather [hbm4b:s4+s13], $0x80, s3, s13, $0xb8;
	[tilespmem:$0x16900] =	vst v63  }
0x2e: {  	_ =	swait.ge [sflag:s15], $0x2800  }
.Ltmp0:
0x2f: {  	[sflag:s15] =	ssyncset.done $0x0;
	(pc) =	sbr.rel @p0 .LBB2_2-.Ltmp0, $4  }
0x30: {  	[sflag:s15] =	ssyncadd.s32 $0xFFFFD800  }
0x31: {  	[spmem:s2] =	stream.indirect.scatter.add.f32 [tilespmem:s14], [sflag:$0x2], $0x80, s12, s13, $0xb8;
	[tilespmem:$0x16900] =	vst v63  }
0x32: {  	_ =	swait.ge [sflag:s11], $0x2800  }
0x33: {  	s19 =	smov.u32 s22;
	[sflag:s11] =	ssyncset.done $0x0  }
0x34: {  	s19 =	sadd.s32 s18, s9;
	[sflag:s11] =	ssyncadd.s32 $0xFFFFD800  }
0x35: {  	[tilespmem:s3], [sflag:$0x2] =	stream.linear.gather [hbm4b:s19+s3], $0x50, $0x38;
	[tilespmem:$0x16900] =	vst v63  }
0x36: {  	_ =	swait.ge [sflag:s11], $0x50  }
0x37: {  	[sflag:s11] =	ssyncset.done $0x0  }
0x38: {  	s31 =	sadd.s32 s18, s8;
	[sflag:s11] =	ssyncadd.s32 $0xFFFFFFB0  }
0x39: {  	[tilespmem:s12], [sflag:$0x2] =	stream.linear.gather [hbm4b:s31+s3], $0x50, $0x38;
	[tilespmem:$0x16900] =	vst v63  }
0x3a: {  	_ =	swait.ge [sflag:s11], $0x50  }
0x3b: {  	[sflag:s11] =	ssyncset.done $0x0  }
0x3c: {  	[sflag:s11] =	ssyncadd.s32 $0xFFFFFFB0  }
0x3d: {  	[tilespmem:s14], [sflag:$0x1] =	stream.indirect.gather [hbm4b:s4+s13], $0x80, s3, s13, $0xb8;
	[tilespmem:$0x16900] =	vst v63  }
0x3e: {  	_ =	swait.ge [sflag:s15], $0x2800  }
0x3f: {  	[sflag:s15] =	ssyncset.done $0x0  }
0x40: {  	[sflag:s15] =	ssyncadd.s32 $0xFFFFD800  }
0x41: {  	[spmem:s2] =	stream.indirect.scatter.add.f32 [tilespmem:s14], [sflag:$0x2], $0x80, s12, s13, $0xb8;
	[tilespmem:$0x16900] =	vst v63  }
0x42: {  	_ =	swait.ge [sflag:s11], $0x2800  }
0x43: {  	s17 =	sadd.s32 $0x1, s17;
	[sflag:s11] =	ssyncset.done $0x0  }
0x44: {  	p0 =	sne.s32 s17, s7;
	[sflag:s11] =	ssyncadd.s32 $0xFFFFD800  }
.Ltmp1:
0x45: {  	[bflag:$0x0] =	sbarrier.arrive $0xFFFF;
	(pc) =	sbr.rel @p0 .LBB2_1-.Ltmp1, $4  }
0x46: {  	[hbm:s16], [sflag:s6] =	dma.local [spmem:s10], $0x2800  }
0x47: {  	_ =	swait.ge [sflag:s11], $0x2800  }
0x48: {  	[sflag:s11] =	ssyncset.done $0x0  }
0x49: {  	[sflag:s11] =	ssyncadd.s32 $0xFFFFD800  }
0x4a: {  	_ =	sfence.sel $0x180000  }
0x4b: {  	[bflag:$0x0] =	sbarrier.arrive $0xFFFF  }
0x4c: {  	p0 =	sne.s32 s1, $0x0;
	_ =	strace $0x9000004A  }
0x4d: {  	s0 =	sadd.s32 @!p0 $0x100000, s0;
	[bflag:$0x2] =	sbarrier.arrive $0xFFFF  }
0x4e: {  	[sflag:s0] =	ssyncadd.tile.s32 @!p0 $0x1;
	_ =	shalt  }
.Lfunc_end2:
_tile_overlayer_lowered:
.L_overlay_start_2:
0x4f: {  	(tag) =	ssettag $0x2  }
0x50: {  	s0 =	rddreg [dreg:$0x0];
	s2 =	stileid.u32  }
0x51: {  	s1 =	rddreg [dreg:$0x1];
	p0 =	sne.s32 s2, $0x0  }
0x52: {  	s3 =	rddreg [dreg:$0x2];
	[bflag:$0x3] =	sbarrier.arrive $0xFFFF;
	s2 =	simm.s32 @!p0 $0x1C02  }
0x53: {  	[timem:s3], [sflag:s2] =	dma.local @!p0 [hbm:s0], s1  }
0x54: {  	s0 =	simm.s32 @!p0 $0x2  }
0x55: {  	_ =	swait.ge @!p0 [sflag:s0], s1  }
0x56: {  	s1 =	ssub.s32 @!p0 $0x0, s1;
	[sflag:s0] =	ssyncset.done @!p0 $0x0  }
0x57: {  	[sflag:s0] =	ssyncadd.s32 @!p0 s1  }
0x58: {  	[bflag:$0x3] =	sbarrier.arrive $0xFFFF  }
0x59: {  	_ =	shalt  }

// kernel: kernel.13.cloned.1.call-start
scs
__scs_entry_jumppad:
0x0: {  	(pc) =	sbr.rel $0x88, $3  }
0x1: {  	(tag) =	ssettag $0x0;
	lr =	simm.s32 $0x1  }
0x2: {  	[smem:$0x3F91] =	sst lr;
	_ =	strace $0xD0000000  }
0x3: {  	_ = 	snop  }
0x4: {  	_ = 	snop  }
0x5: {  	_ = 	snop  }
0x6: {  	_ = 	snop  }
0x7: {  	_ = 	snop  }
__scs_overlays_trampoline_lowered:
0x8: {  	[smem:$0x3FA0] =	sst s0  }
0x9: {  	[smem:$0x3FA1] =	sst s1  }
0xa: {  	[smem:$0x3FA2] =	sst s2  }
0xb: {  	[smem:$0x3FA3] =	sst s3  }
0xc: {  	[smem:$0x3FA4] =	sst s4  }
0xd: {  	[smem:$0x3FA5] =	sst s5  }
0xe: {  	[smem:$0x3FA6] =	sst s6  }
0xf: {  	[smem:$0x3FA7] =	sst s7  }
0x10: {  	[smem:$0x3FA8] =	sst s8  }
0x11: {  	[smem:$0x3FA9] =	sst s9;
	s0 =	simm.s32 @!p0 $0x0  }
0x12: {  	s1 =	sld [smem:$0x3F8F];
	s0 =	simm.s32 @p0 $0x1  }
0x13: {  	[smem:$0x3FAA] =	sst s0;
	s0 =	simm.s32 @!p1 $0x0  }
0x14: {  	s2 =	sld [smem:$0x3F8E];
	s0 =	simm.s32 @p1 $0x1  }
0x15: {  	[smem:$0x3FAB] =	sst s0;
	s0 =	simm.s32 @!p2 $0x0  }
0x16: {  	s3 =	sld [smem:$0x3FDB];
	s0 =	simm.s32 @p2 $0x1  }
0x17: {  	s4 =	simm.s32 $0x1BF5;
	[smem:$0x3FAD] =	sst s0  }
0x18: {  	s0 =	sld [smem:$0x3F90];
	_ =	swait.ge [sflag:s4], $0x0  }
0x19: {  	s7 =	sld [smem:$0x3F91]  }
0x1a: {  	s8 =	sadd.s32 $0xFFFFE003, lr  }
0x1b: {  	s9 =	sadd.s32 $0xFFFFFEF7, lr;
	s5 =	simm.s32 $0xFFFFFFFF;
	p2 =	slt.u32 s8, $0xFFFFF086  }
0x1c: {  	p1 =	slt.u32 s9, $0xF7A;
	s5 =	simm.s32 @!p2 $0x0  }
0x1d: {  	s5 =	simm.s32 @p1 $0x1;
	p0 =	seq.s32 s7, s2  }
0x1e: {  	s7 =	smul.u32 @!p0 $0xF7A, s2;
	p2 =	seq.s32 @!p0 s5, $0x0  }
0x1f: {  	s9 =	smul.u32 $0xF7A, s1;
	s8 =	simm.s32 @!p0 $0x1BF5;
	p2 =	por !p2, p0  }
0x20: {  	[sflag:s8] =	ssyncset.s32 @!p0 $0xFFFFF086;
	s6 =	sadd.s32 @!p0 s3, s7;
	s7 =	simm.s32 @!p0 $0x108  }
0x21: {  	s3 =	sadd.s32 s3, s9;
	s6 =	sadd.s32 @!p0 $0x88, s6;
	s7 =	simm.s32 @p2 $0x1082  }
0x22: {  	[simem:s7], [sflag:s8] =	dma.local @!p0 [hbm:s6], $0xF7A  }
0x23: {  	s9 =	sor.u32 $0xD0000000, s2;
	s6 =	simm.s32 $0x108;
	_ =	swait.ge @!p0 [sflag:s8], $0x0  }
0x24: {  	s3 =	sadd.s32 $0x88, s3;
	s6 =	simm.s32 @!p1 $0x1082;
	[sflag:s4] =	ssyncset.s32 $0xFFFFF086  }
0x25: {  	[simem:s6], [sflag:s4] =	dma.local [hbm:s3], $0xF7A  }
0x26: {  	[smem:$0x3F91] =	sst s1;
	(tag) =	ssettag s2;
	_ =	strace s9  }
0x27: {  	s1 =	sld [smem:$0x3FA1]  }
0x28: {  	s2 =	sld [smem:$0x3FA2]  }
0x29: {  	s4 =	sld [smem:$0x3FA4]  }
0x2a: {  	p0 =	seq.s32 s5, $0x0;
	s5 =	sld [smem:$0x3FA5]  }
0x2b: {  	s6 =	sld [smem:$0x3FA6]  }
0x2c: {  	s7 =	sld [smem:$0x3FA7]  }
0x2d: {  	s3 =	simm.s32 $0x108;
	s8 =	sld [smem:$0x3FA8]  }
0x2e: {  	s3 =	simm.s32 @!p0 $0x1082;
	s9 =	sld [smem:$0x3FA9]  }
0x2f: {  	lr =	sadd.s32 s0, s3;
	s0 =	sld [smem:$0x3FA0]  }
0x30: {  	s3 =	sld [smem:$0x3FA3]  }
0x31: {  	[smem:$0x3FAC] =	sst s10  }
0x32: {  	s10 =	sld [smem:$0x3FAA];
	_ =	sdelay $0x3  }
0x33: {  	p0 =	seq.s32 s10, $0x1;
	s10 =	sld [smem:$0x3FAC];
	_ =	sdelay $0x3  }
0x34: {  	[smem:$0x3FAC] =	sst s10  }
0x35: {  	s10 =	sld [smem:$0x3FAB];
	_ =	sdelay $0x3  }
0x36: {  	p1 =	seq.s32 s10, $0x1;
	s10 =	sld [smem:$0x3FAC];
	_ =	sdelay $0x3  }
0x37: {  	[smem:$0x3FAC] =	sst s10  }
0x38: {  	s10 =	sld [smem:$0x3FAD]  }
0x39: {  	_ = 	snop;
	(pc) =	sbr.ind lr, $3  }
0x3a: {  	_ = 	snop  }
0x3b: {  	_ = 	snop  }
0x3c: {  	p2 =	seq.s32 s10, $0x1;
	s10 =	sld [smem:$0x3FAC]  }
0x3d: {  	_ =	shalt  }
0x3e: {  	_ =	shalt  }
0x3f: {  	_ =	shalt  }
0x40: {  	_ =	shalt  }
0x41: {  	_ =	shalt  }
0x42: {  	_ =	shalt  }
0x43: {  	_ =	shalt  }
0x44: {  	_ =	shalt  }
0x45: {  	_ =	shalt  }
0x46: {  	_ =	shalt  }
0x47: {  	_ =	shalt  }
0x48: {  	_ =	shalt  }
0x49: {  	_ =	shalt  }
0x4a: {  	_ =	shalt  }
0x4b: {  	_ =	shalt  }
0x4c: {  	_ =	shalt  }
0x4d: {  	_ =	shalt  }
0x4e: {  	_ =	shalt  }
0x4f: {  	_ =	shalt  }
0x50: {  	_ =	shalt  }
0x51: {  	_ =	shalt  }
0x52: {  	_ =	shalt  }
0x53: {  	_ =	shalt  }
0x54: {  	_ =	shalt  }
0x55: {  	_ =	shalt  }
0x56: {  	_ =	shalt  }
0x57: {  	_ =	shalt  }
0x58: {  	_ =	shalt  }
0x59: {  	_ =	shalt  }
0x5a: {  	_ =	shalt  }
0x5b: {  	_ =	shalt  }
0x5c: {  	_ =	shalt  }
0x5d: {  	_ =	shalt  }
0x5e: {  	_ =	shalt  }
0x5f: {  	_ =	shalt  }
0x60: {  	_ =	shalt  }
0x61: {  	_ =	shalt  }
0x62: {  	_ =	shalt  }
0x63: {  	_ =	shalt  }
0x64: {  	_ =	shalt  }
0x65: {  	_ =	shalt  }
0x66: {  	_ =	shalt  }
0x67: {  	_ =	shalt  }
0x68: {  	_ =	shalt  }
0x69: {  	_ =	shalt  }
0x6a: {  	_ =	shalt  }
0x6b: {  	_ =	shalt  }
0x6c: {  	_ =	shalt  }
0x6d: {  	_ =	shalt  }
0x6e: {  	_ =	shalt  }
0x6f: {  	_ =	shalt  }
0x70: {  	_ =	shalt  }
0x71: {  	_ =	shalt  }
0x72: {  	_ =	shalt  }
0x73: {  	_ =	shalt  }
0x74: {  	_ =	shalt  }
0x75: {  	_ =	shalt  }
0x76: {  	_ =	shalt  }
0x77: {  	_ =	shalt  }
0x78: {  	_ =	shalt  }
0x79: {  	_ =	shalt  }
0x7a: {  	_ =	shalt  }
0x7b: {  	_ =	shalt  }
0x7c: {  	_ =	shalt  }
0x7d: {  	_ =	shalt  }
0x7e: {  	_ =	shalt  }
0x7f: {  	_ =	shalt  }
0x80: {  	_ =	shalt  }
0x81: {  	_ =	shalt  }
0x82: {  	_ =	shalt  }
0x83: {  	_ =	shalt  }
0x84: {  	_ =	shalt  }
0x85: {  	_ =	shalt  }
0x86: {  	_ =	shalt  }
0x87: {  	_ =	shalt  }
.Lfunc_end0:
.L_simem_size_0:
called_computation.2_lowered:
.L_overlay_start_0:
0x88: {  	s2 =	sld [smem:$0x3FD9]  }
0x89: {  	s3 =	sld [smem:$0x3FFE];
	_ =	sdelay $0x1  }
0x8a: {  	s1 =	srdreg.scid  }
0x8b: {  	s0 =	sand.u32 $0x1, s1  }
0x8c: {  	s17 =	sshll.u32 s0, $0xA;
	s2 =	sadd.s32 s3, s2  }
0x8d: {  	s2 =	sadd.s32 s2, s17  }
0x8e: {  	[smem:$0x3FB8] =	sst s2  }
0x8f: {  	_ = 	snop  }
0x90: {  	s2 =	sld [smem:$0x3FC7];
	(tm) =	ssettm $0x1  }
0x91: {  	s18 =	sld [smem:$0x3FFB];
	_ =	sdelay $0x3  }
0x92: {  	_ =	strace s18  }
0x93: {  	s3 =	sld [smem:$0x3FFC];
	_ =	sdelay $0x3  }
0x94: {  	_ =	strace s3  }
0x95: {  	s3 =	sld [smem:$0x3FFD];
	_ =	sdelay $0x3  }
0x96: {  	_ =	strace s3  }
0x97: {  	_ =	strace $0x8FFFFFFF  }
0x98: {  	s19 =	sld [smem:$0x3FDB];
	_ =	sdelay $0x1  }
0x99: {  	s4 =	simm.s32 $_scs_section_size  }
0x9a: {  	s5 =	simm.s32 $_size__tile_overlayer_lowered;
	s6 =	simm.s32 $_tile_overlayer_lowered  }
0x9b: {  	s22 =	simm.s32 $0x1BFF;
	s21 =	sshll.u32 s6, $0x1;
	s3 =	sadd.s32 s4, s19  }
0x9c: {  	s7 =	simm.s32 $0x0;
	s20 =	sshll.u32 s5, $0x1;
	s5 =	sadd.s32 s21, s3  }
0x9d: {  	[timem:s7], [sflag:s22] =	dma.local [hbm:s5], s20  }
0x9e: {  	_ =	swait.ge [sflag:s22], s20  }
0x9f: {  	s4 =	ssub.s32 $0x0, s20;
	[sflag:s22] =	ssyncset.done $0x0  }
0xa0: {  	[sflag:s22] =	ssyncadd.s32 s4;
	_ =	sdelay $0x1  }
0xa1: {  	s23 =	simm.s32 $0x1B8B  }
0xa2: {  	_ =	swait.ge [sflag:s23], $0x1  }
0xa3: {  	[sflag:s23] =	ssyncset.done $0x0  }
0xa4: {  	s25 =	simm.s32 $0x1B8E;
	s24 =	sld [smem:$0x3FFE];
	[sflag:s23] =	ssyncadd.s32 $0xFFFFFFFF  }
0xa5: {  	s26 =	simm.s32 $execute0_lowered;
	[smem:$0x3FD2] =	sst s25  }
0xa6: {  	s5 =	sshll.u32 s26, $0x1;
	_ =	strace $0x8000004C;
	[dreg:$0x1] =	wrdreg $0xFFFFFFFF  }
0xa7: {  	s28 =	simm.s32 $_size_execute0_lowered;
	s3 =	sadd.s32 s3, s5;
	[dreg:$0x0] =	wrdreg $0x0  }
0xa8: {  	s5 =	sshll.u32 s28, $0x1;
	[dreg:$0x2] =	wrdreg s3  }
0xa9: {  	[dreg:$0x3] =	wrdreg s5  }
0xaa: {  	[dreg:$0x4] =	wrdreg $0xC0  }
0xab: {  	_ =	task [dreg:s7], $0x5FFFF  }
0xac: {  	[dreg:$0x1] =	wrdreg $0xFFFFFFFF  }
0xad: {  	[dreg:$0x0] =	wrdreg $0x60  }
0xae: {  	[dreg:$0x2] =	wrdreg s24  }
0xaf: {  	[dreg:$0x3] =	wrdreg s2  }
0xb0: {  	[dreg:$0x4] =	wrdreg $0x9  }
0xb1: {  	_ =	task.clear_ibuf [dreg:s7], $0x5FFFF;
	_ =	strace $0x9000004C  }
0xb2: {  	s29 =	simm.s32 $0x9;
	_ =	strace $0x8000004E  }
0xb3: {  	_ =	swait.ge [sflag:s29], $0x1  }
0xb4: {  	[sflag:s29] =	ssyncadd.s32 $0xFFFFFFFF  }
0xb5: {  	_ =	strace $0x9000004E  }
0xb6: {  	_ =	sfence  }
0xb7: {  	s30 =	sld [smem:$0x0];
	_ =	sdelay $0x2  }
0xb8: {  	s31 =	sshll.u32 s1, $0xD;
	s1 =	sshrl.u32 s1, $0x2  }
0xb9: {  	s3 =	sand.u32 $0x4000, s31;
	s1 =	sadd.s32 s1, s30  }
0xba: {  	s0 =	sor.u32 s3, s0;
	s1 =	sshll.u32 s1, $0x11  }
0xbb: {  	s0 =	sor.u32 s1, s0  }
0xbc: {  	s0 =	sadd.s32 $0x8F2B, s0  }
0xbd: {  	[sflag:s0] =	ssyncadd.remote.s32 $0x1  }
0xbe: {  	_ =	sfence.sel $0xFFFF  }
0xbf: {  	[dreg:$0x0] =	wrdreg $0xFFFFFFFF;
	(pc) =	sbr.abs _section_cstart, $3  }
0xc0: {  	[dreg:$0x1] =	wrdreg $0xFFFFFFFF  }
0xc1: {  	_ =	task.clear_ibuf [dreg:s7], $0x2FFFF;
	_ =	strace $0x9FFFFFFF  }
0xc2: {  	(tm) =	ssettm $0x7FFFFFFF  }
0xc3: {  	_ =	shalt  }
tec
execute0_lowered:
.L_overlay_start_1:
0x0: {  	(tag) =	ssettag $0x1  }
0x1: {  	s1 =	srdreg.scid  }
0x2: {  	s14 =	rddreg [dreg:$0x0];
	s0 =	stileid.u32;
	s15 =	sand.u32 $0x1, s1  }
0x3: {  	s3 =	rddreg [dreg:$0x1];
	s5 =	sshll.u32 s0, $0x5;
	s4 =	sshll.u32 s15, $0x9  }
0x4: {  	s2 =	simm.s32 $0x0;
	s1 =	rddreg [dreg:$0x2];
	s9 =	sor.u32 s5, s4  }
0x5: {  	[smem:$0x7FF] =	sst s2;
	s4 =	sshrl.u32 s9, $0x3  }
0x6: {  	_ =	strace $0x8000004D;
	s4 =	sadd.s32 s3, s4;
	s3 =	simm.s32 $0x2  }
0x7: {  	[tilespmem:s2], [sflag:$0x2] =	stream.linear.gather [hbm4b:s4+s2], $0x20, $0x38;
	[tilespmem:$0x2080] =	vst v63  }
0x8: {  	_ =	swait.ge [sflag:s3], $0x20  }
0x9: {  	s6 =	simm.s32 $0x20;
	s7 =	simm.s32 $0x80;
	[sflag:s3] =	ssyncset.done $0x0  }
0xa: {  	s8 =	simm.s32 $0x1;
	s5 =	sadd.s32 $0x18000, s14;
	[sflag:s3] =	ssyncadd.s32 $0xFFFFFFE0  }
0xb: {  	[tilespmem:s7], [sflag:$0x1] =	stream.indirect.gather [hbm4b:s5+s6], $0x80, s2, s6, $0xb8;
	[tilespmem:$0x2080] =	vst v63  }
0xc: {  	s9 =	sshll.u32 s9, $0x4;
	_ =	swait.ge [sflag:s8], $0x1000  }
0xd: {  	s16 =	sadd.s32 s9, s14;
	[sflag:s8] =	ssyncset.done $0x0  }
0xe: {  	s9 =	sadd.s32 $0x4400, s16;
	[sflag:s8] =	ssyncadd.s32 $0xFFFFF000  }
0xf: {  	[hbm4b:s9+s2] =	stream.linear.scatter [tilespmem:s7], [sflag:$0x2], $0x1000, $0x38;
	[tilespmem:$0x2080] =	vst v63  }
0x10: {  	_ =	swait.ge [sflag:s3], $0x1000  }
0x11: {  	[sflag:s3] =	ssyncset.done $0x0  }
0x12: {  	s10 =	sadd.s32 $0xE0600, s14;
	[sflag:s3] =	ssyncadd.s32 $0xFFFFF000  }
0x13: {  	[tilespmem:s7], [sflag:$0x1] =	stream.indirect.gather [hbm4b:s10+s6], $0x80, s2, s6, $0xb8;
	[tilespmem:$0x2080] =	vst v63  }
0x14: {  	_ =	swait.ge [sflag:s8], $0x1000  }
0x15: {  	[sflag:s8] =	ssyncset.done $0x0  }
0x16: {  	s11 =	sadd.s32 $0x8400, s16;
	[sflag:s8] =	ssyncadd.s32 $0xFFFFF000  }
0x17: {  	[hbm4b:s11+s2] =	stream.linear.scatter [tilespmem:s7], [sflag:$0x2], $0x1000, $0x38;
	[tilespmem:$0x2080] =	vst v63  }
0x18: {  	_ =	swait.ge [sflag:s3], $0x1000  }
0x19: {  	[sflag:s3] =	ssyncset.done $0x0  }
0x1a: {  	s12 =	sadd.s32 $0x40000, s14;
	[sflag:s3] =	ssyncadd.s32 $0xFFFFF000  }
0x1b: {  	[tilespmem:s7], [sflag:$0x1] =	stream.indirect.gather [hbm4b:s12+s6], $0x80, s2, s6, $0xb8;
	[tilespmem:$0x2080] =	vst v63  }
0x1c: {  	_ =	swait.ge [sflag:s8], $0x1000  }
0x1d: {  	[sflag:s8] =	ssyncset.done $0x0  }
0x1e: {  	s17 =	ssub.s32 $0x2, s15;
	s13 =	sadd.s32 $0xC400, s16;
	[sflag:s8] =	ssyncadd.s32 $0xFFFFF000  }
0x1f: {  	[hbm4b:s13+s2] =	stream.linear.scatter [tilespmem:s7], [sflag:$0x2], $0x1000, $0x38;
	[tilespmem:$0x2080] =	vst v63  }
0x20: {  	s18 =	sshrl.u32 s17, $0x1;
	_ =	swait.ge [sflag:s3], $0x1000  }
0x21: {  	s15 =	simm.s32 $0x1080;
	s17 =	ssub.s32 s17, s18;
	[sflag:s3] =	ssyncset.done $0x0  }
0x22: {  	s14 =	sadd.s32 $0x68600, s14;
	s17 =	smax.u32 s17, $0x1;
	[sflag:s3] =	ssyncadd.s32 $0xFFFFF000  }
0x23: {  	[tilespmem:s15], [sflag:$0x1] =	stream.indirect.gather [hbm4b:s14+s6], $0x80, s2, s6, $0xb8;
	[tilespmem:$0x2080] =	vst v63  }
0x24: {  	p0 =	sne.s32 s17, $0x1;
	_ =	swait.ge [sflag:s8], $0x1000  }
.Ltmp0:
0x25: {  	[sflag:s8] =	ssyncset.done $0x0;
	(pc) =	sbr.rel @!p0 .LBB2_2-.Ltmp0, $4  }
0x26: {  	s16 =	sadd.s32 $0x10400, s16;
	[sflag:s8] =	ssyncadd.s32 $0xFFFFF000  }
0x27: {  	[hbm4b:s16+s2] =	stream.linear.scatter [tilespmem:s15], [sflag:$0x2], $0x1000, $0x38;
	[tilespmem:$0x2080] =	vst v63  }
0x28: {  	_ =	swait.ge [sflag:s3], $0x1000  }
0x29: {  	s17 =	sadd.s32 $0xFFFFFFFF, s17;
	[sflag:s3] =	ssyncset.done $0x0  }
.LBB2_1:
0x2a: {  	p0 =	sne.s32 s17, $0x1;
	s17 =	sadd.s32 $0xFFFFFFFF, s17;
	[sflag:s3] =	ssyncadd.s32 $0xFFFFF000  }
0x2b: {  	[tilespmem:s2], [sflag:$0x2] =	stream.linear.gather [hbm4b:s4+s2], $0x20, $0x38;
	[tilespmem:$0x2080] =	vst v63  }
0x2c: {  	_ =	swait.ge [sflag:s3], $0x20  }
0x2d: {  	[sflag:s3] =	ssyncset.done $0x0  }
0x2e: {  	[sflag:s3] =	ssyncadd.s32 $0xFFFFFFE0  }
0x2f: {  	[tilespmem:s7], [sflag:$0x1] =	stream.indirect.gather [hbm4b:s5+s6], $0x80, s2, s6, $0xb8;
	[tilespmem:$0x2080] =	vst v63  }
0x30: {  	_ =	swait.ge [sflag:s8], $0x1000  }
0x31: {  	[sflag:s8] =	ssyncset.done $0x0  }
0x32: {  	[sflag:s8] =	ssyncadd.s32 $0xFFFFF000  }
0x33: {  	[hbm4b:s9+s2] =	stream.linear.scatter [tilespmem:s7], [sflag:$0x2], $0x1000, $0x38;
	[tilespmem:$0x2080] =	vst v63  }
0x34: {  	_ =	swait.ge [sflag:s3], $0x1000  }
0x35: {  	[sflag:s3] =	ssyncset.done $0x0  }
0x36: {  	[sflag:s3] =	ssyncadd.s32 $0xFFFFF000  }
0x37: {  	[tilespmem:s7], [sflag:$0x1] =	stream.indirect.gather [hbm4b:s10+s6], $0x80, s2, s6, $0xb8;
	[tilespmem:$0x2080] =	vst v63  }
0x38: {  	_ =	swait.ge [sflag:s8], $0x1000  }
0x39: {  	[sflag:s8] =	ssyncset.done $0x0  }
0x3a: {  	[sflag:s8] =	ssyncadd.s32 $0xFFFFF000  }
0x3b: {  	[hbm4b:s11+s2] =	stream.linear.scatter [tilespmem:s7], [sflag:$0x2], $0x1000, $0x38;
	[tilespmem:$0x2080] =	vst v63  }
0x3c: {  	_ =	swait.ge [sflag:s3], $0x1000  }
0x3d: {  	[sflag:s3] =	ssyncset.done $0x0  }
0x3e: {  	[sflag:s3] =	ssyncadd.s32 $0xFFFFF000  }
0x3f: {  	[tilespmem:s7], [sflag:$0x1] =	stream.indirect.gather [hbm4b:s12+s6], $0x80, s2, s6, $0xb8;
	[tilespmem:$0x2080] =	vst v63  }
0x40: {  	_ =	swait.ge [sflag:s8], $0x1000  }
0x41: {  	[sflag:s8] =	ssyncset.done $0x0  }
0x42: {  	[sflag:s8] =	ssyncadd.s32 $0xFFFFF000  }
0x43: {  	[hbm4b:s13+s2] =	stream.linear.scatter [tilespmem:s7], [sflag:$0x2], $0x1000, $0x38;
	[tilespmem:$0x2080] =	vst v63  }
0x44: {  	_ =	swait.ge [sflag:s3], $0x1000  }
0x45: {  	[sflag:s3] =	ssyncset.done $0x0  }
0x46: {  	[sflag:s3] =	ssyncadd.s32 $0xFFFFF000  }
0x47: {  	[tilespmem:s15], [sflag:$0x1] =	stream.indirect.gather [hbm4b:s14+s6], $0x80, s2, s6, $0xb8;
	[tilespmem:$0x2080] =	vst v63  }
0x48: {  	_ =	swait.ge [sflag:s8], $0x1000  }
.Ltmp1:
0x49: {  	[sflag:s8] =	ssyncset.done $0x0;
	(pc) =	sbr.rel @p0 .LBB2_1-.Ltmp1, $4  }
0x4a: {  	[sflag:s8] =	ssyncadd.s32 $0xFFFFF000  }
0x4b: {  	[hbm4b:s16+s2] =	stream.linear.scatter [tilespmem:s15], [sflag:$0x2], $0x1000, $0x38;
	[tilespmem:$0x2080] =	vst v63  }
0x4c: {  	_ =	swait.ge [sflag:s3], $0x1000  }
0x4d: {  	[sflag:s3] =	ssyncset.done $0x0  }
.LBB2_2:
0x4e: {  	[sflag:s3] =	ssyncadd.s32 $0xFFFFF000  }
0x4f: {  	_ =	sfence.sel $0x180000  }
0x50: {  	[bflag:$0x0] =	sbarrier.arrive $0xFFFF  }
0x51: {  	p0 =	sne.s32 s0, $0x0;
	_ =	strace $0x9000004D  }
0x52: {  	s0 =	sadd.s32 @!p0 $0x100000, s1;
	[bflag:$0x2] =	sbarrier.arrive $0xFFFF  }
0x53: {  	[sflag:s0] =	ssyncadd.tile.s32 @!p0 $0x1;
	_ =	shalt  }
.Lfunc_end2:
_tile_overlayer_lowered:
.L_overlay_start_2:
0x54: {  	(tag) =	ssettag $0x2  }
0x55: {  	s0 =	rddreg [dreg:$0x0];
	s2 =	stileid.u32  }
0x56: {  	s1 =	rddreg [dreg:$0x1];
	p0 =	sne.s32 s2, $0x0  }
0x57: {  	s3 =	rddreg [dreg:$0x2];
	[bflag:$0x3] =	sbarrier.arrive $0xFFFF;
	s2 =	simm.s32 @!p0 $0x1C02  }
0x58: {  	[timem:s3], [sflag:s2] =	dma.local @!p0 [hbm:s0], s1  }
0x59: {  	s0 =	simm.s32 @!p0 $0x2  }
0x5a: {  	_ =	swait.ge @!p0 [sflag:s0], s1  }
0x5b: {  	s1 =	ssub.s32 @!p0 $0x0, s1;
	[sflag:s0] =	ssyncset.done @!p0 $0x0  }
0x5c: {  	[sflag:s0] =	ssyncadd.s32 @!p0 s1  }
0x5d: {  	[bflag:$0x3] =	sbarrier.arrive $0xFFFF  }
0x5e: {  	_ =	shalt  }

// kernel: kernel.7.cloned.1.call-start
scs
__scs_entry_jumppad:
0x0: {  	(pc) =	sbr.rel $0x88, $3  }
0x1: {  	(tag) =	ssettag $0x0;
	lr =	simm.s32 $0x1  }
0x2: {  	[smem:$0x3F91] =	sst lr;
	_ =	strace $0xD0000000  }
0x3: {  	_ = 	snop  }
0x4: {  	_ = 	snop  }
0x5: {  	_ = 	snop  }
0x6: {  	_ = 	snop  }
0x7: {  	_ = 	snop  }
__scs_overlays_trampoline_lowered:
0x8: {  	[smem:$0x3FA0] =	sst s0  }
0x9: {  	[smem:$0x3FA1] =	sst s1  }
0xa: {  	[smem:$0x3FA2] =	sst s2  }
0xb: {  	[smem:$0x3FA3] =	sst s3  }
0xc: {  	[smem:$0x3FA4] =	sst s4  }
0xd: {  	[smem:$0x3FA5] =	sst s5  }
0xe: {  	[smem:$0x3FA6] =	sst s6  }
0xf: {  	[smem:$0x3FA7] =	sst s7  }
0x10: {  	[smem:$0x3FA8] =	sst s8  }
0x11: {  	[smem:$0x3FA9] =	sst s9;
	s0 =	simm.s32 @!p0 $0x0  }
0x12: {  	s1 =	sld [smem:$0x3F8F];
	s0 =	simm.s32 @p0 $0x1  }
0x13: {  	[smem:$0x3FAA] =	sst s0;
	s0 =	simm.s32 @!p1 $0x0  }
0x14: {  	s2 =	sld [smem:$0x3F8E];
	s0 =	simm.s32 @p1 $0x1  }
0x15: {  	[smem:$0x3FAB] =	sst s0;
	s0 =	simm.s32 @!p2 $0x0  }
0x16: {  	s3 =	sld [smem:$0x3FDB];
	s0 =	simm.s32 @p2 $0x1  }
0x17: {  	s4 =	simm.s32 $0x1BF5;
	[smem:$0x3FAD] =	sst s0  }
0x18: {  	s0 =	sld [smem:$0x3F90];
	_ =	swait.ge [sflag:s4], $0x0  }
0x19: {  	s7 =	sld [smem:$0x3F91]  }
0x1a: {  	s8 =	sadd.s32 $0xFFFFE003, lr  }
0x1b: {  	s9 =	sadd.s32 $0xFFFFFEF7, lr;
	s5 =	simm.s32 $0xFFFFFFFF;
	p2 =	slt.u32 s8, $0xFFFFF086  }
0x1c: {  	p1 =	slt.u32 s9, $0xF7A;
	s5 =	simm.s32 @!p2 $0x0  }
0x1d: {  	s5 =	simm.s32 @p1 $0x1;
	p0 =	seq.s32 s7, s2  }
0x1e: {  	s7 =	smul.u32 @!p0 $0xF7A, s2;
	p2 =	seq.s32 @!p0 s5, $0x0  }
0x1f: {  	s9 =	smul.u32 $0xF7A, s1;
	s8 =	simm.s32 @!p0 $0x1BF5;
	p2 =	por !p2, p0  }
0x20: {  	[sflag:s8] =	ssyncset.s32 @!p0 $0xFFFFF086;
	s6 =	sadd.s32 @!p0 s3, s7;
	s7 =	simm.s32 @!p0 $0x108  }
0x21: {  	s3 =	sadd.s32 s3, s9;
	s6 =	sadd.s32 @!p0 $0x88, s6;
	s7 =	simm.s32 @p2 $0x1082  }
0x22: {  	[simem:s7], [sflag:s8] =	dma.local @!p0 [hbm:s6], $0xF7A  }
0x23: {  	s9 =	sor.u32 $0xD0000000, s2;
	s6 =	simm.s32 $0x108;
	_ =	swait.ge @!p0 [sflag:s8], $0x0  }
0x24: {  	s3 =	sadd.s32 $0x88, s3;
	s6 =	simm.s32 @!p1 $0x1082;
	[sflag:s4] =	ssyncset.s32 $0xFFFFF086  }
0x25: {  	[simem:s6], [sflag:s4] =	dma.local [hbm:s3], $0xF7A  }
0x26: {  	[smem:$0x3F91] =	sst s1;
	(tag) =	ssettag s2;
	_ =	strace s9  }
0x27: {  	s1 =	sld [smem:$0x3FA1]  }
0x28: {  	s2 =	sld [smem:$0x3FA2]  }
0x29: {  	s4 =	sld [smem:$0x3FA4]  }
0x2a: {  	p0 =	seq.s32 s5, $0x0;
	s5 =	sld [smem:$0x3FA5]  }
0x2b: {  	s6 =	sld [smem:$0x3FA6]  }
0x2c: {  	s7 =	sld [smem:$0x3FA7]  }
0x2d: {  	s3 =	simm.s32 $0x108;
	s8 =	sld [smem:$0x3FA8]  }
0x2e: {  	s3 =	simm.s32 @!p0 $0x1082;
	s9 =	sld [smem:$0x3FA9]  }
0x2f: {  	lr =	sadd.s32 s0, s3;
	s0 =	sld [smem:$0x3FA0]  }
0x30: {  	s3 =	sld [smem:$0x3FA3]  }
0x31: {  	[smem:$0x3FAC] =	sst s10  }
0x32: {  	s10 =	sld [smem:$0x3FAA];
	_ =	sdelay $0x3  }
0x33: {  	p0 =	seq.s32 s10, $0x1;
	s10 =	sld [smem:$0x3FAC];
	_ =	sdelay $0x3  }
0x34: {  	[smem:$0x3FAC] =	sst s10  }
0x35: {  	s10 =	sld [smem:$0x3FAB];
	_ =	sdelay $0x3  }
0x36: {  	p1 =	seq.s32 s10, $0x1;
	s10 =	sld [smem:$0x3FAC];
	_ =	sdelay $0x3  }
0x37: {  	[smem:$0x3FAC] =	sst s10  }
0x38: {  	s10 =	sld [smem:$0x3FAD]  }
0x39: {  	_ = 	snop;
	(pc) =	sbr.ind lr, $3  }
0x3a: {  	_ = 	snop  }
0x3b: {  	_ = 	snop  }
0x3c: {  	p2 =	seq.s32 s10, $0x1;
	s10 =	sld [smem:$0x3FAC]  }
0x3d: {  	_ =	shalt  }
0x3e: {  	_ =	shalt  }
0x3f: {  	_ =	shalt  }
0x40: {  	_ =	shalt  }
0x41: {  	_ =	shalt  }
0x42: {  	_ =	shalt  }
0x43: {  	_ =	shalt  }
0x44: {  	_ =	shalt  }
0x45: {  	_ =	shalt  }
0x46: {  	_ =	shalt  }
0x47: {  	_ =	shalt  }
0x48: {  	_ =	shalt  }
0x49: {  	_ =	shalt  }
0x4a: {  	_ =	shalt  }
0x4b: {  	_ =	shalt  }
0x4c: {  	_ =	shalt  }
0x4d: {  	_ =	shalt  }
0x4e: {  	_ =	shalt  }
0x4f: {  	_ =	shalt  }
0x50: {  	_ =	shalt  }
0x51: {  	_ =	shalt  }
0x52: {  	_ =	shalt  }
0x53: {  	_ =	shalt  }
0x54: {  	_ =	shalt  }
0x55: {  	_ =	shalt  }
0x56: {  	_ =	shalt  }
0x57: {  	_ =	shalt  }
0x58: {  	_ =	shalt  }
0x59: {  	_ =	shalt  }
0x5a: {  	_ =	shalt  }
0x5b: {  	_ =	shalt  }
0x5c: {  	_ =	shalt  }
0x5d: {  	_ =	shalt  }
0x5e: {  	_ =	shalt  }
0x5f: {  	_ =	shalt  }
0x60: {  	_ =	shalt  }
0x61: {  	_ =	shalt  }
0x62: {  	_ =	shalt  }
0x63: {  	_ =	shalt  }
0x64: {  	_ =	shalt  }
0x65: {  	_ =	shalt  }
0x66: {  	_ =	shalt  }
0x67: {  	_ =	shalt  }
0x68: {  	_ =	shalt  }
0x69: {  	_ =	shalt  }
0x6a: {  	_ =	shalt  }
0x6b: {  	_ =	shalt  }
0x6c: {  	_ =	shalt  }
0x6d: {  	_ =	shalt  }
0x6e: {  	_ =	shalt  }
0x6f: {  	_ =	shalt  }
0x70: {  	_ =	shalt  }
0x71: {  	_ =	shalt  }
0x72: {  	_ =	shalt  }
0x73: {  	_ =	shalt  }
0x74: {  	_ =	shalt  }
0x75: {  	_ =	shalt  }
0x76: {  	_ =	shalt  }
0x77: {  	_ =	shalt  }
0x78: {  	_ =	shalt  }
0x79: {  	_ =	shalt  }
0x7a: {  	_ =	shalt  }
0x7b: {  	_ =	shalt  }
0x7c: {  	_ =	shalt  }
0x7d: {  	_ =	shalt  }
0x7e: {  	_ =	shalt  }
0x7f: {  	_ =	shalt  }
0x80: {  	_ =	shalt  }
0x81: {  	_ =	shalt  }
0x82: {  	_ =	shalt  }
0x83: {  	_ =	shalt  }
0x84: {  	_ =	shalt  }
0x85: {  	_ =	shalt  }
0x86: {  	_ =	shalt  }
0x87: {  	_ =	shalt  }
.Lfunc_end0:
.L_simem_size_0:
called_computation_lowered:
.L_overlay_start_0:
0x88: {  	s2 =	sld [smem:$0x3FD9]  }
0x89: {  	s3 =	sld [smem:$0x3FFE];
	_ =	sdelay $0x1  }
0x8a: {  	s1 =	srdreg.scid  }
0x8b: {  	s0 =	sand.u32 $0x1, s1  }
0x8c: {  	s16 =	sshll.u32 s0, $0xA;
	s2 =	sadd.s32 s3, s2  }
0x8d: {  	s2 =	sadd.s32 s2, s16  }
0x8e: {  	[smem:$0x3FB8] =	sst s2  }
0x8f: {  	_ = 	snop  }
0x90: {  	(tm) =	ssettm $0x1  }
0x91: {  	s17 =	sld [smem:$0x3FFB];
	_ =	sdelay $0x3  }
0x92: {  	_ =	strace s17  }
0x93: {  	s2 =	sld [smem:$0x3FFC];
	_ =	sdelay $0x3  }
0x94: {  	_ =	strace s2  }
0x95: {  	s2 =	sld [smem:$0x3FFD];
	_ =	sdelay $0x3  }
0x96: {  	_ =	strace s2  }
0x97: {  	_ =	strace $0x8FFFFFFF  }
0x98: {  	s18 =	sld [smem:$0x3FDB];
	_ =	sdelay $0x1  }
0x99: {  	s19 =	simm.s32 $_scs_section_size  }
0x9a: {  	s4 =	simm.s32 $_size__tile_overlayer_lowered;
	s5 =	simm.s32 $_tile_overlayer_lowered  }
0x9b: {  	s22 =	simm.s32 $0x1BFF;
	s21 =	sshll.u32 s5, $0x1;
	s2 =	sadd.s32 s19, s18  }
0x9c: {  	s6 =	simm.s32 $0x0;
	s20 =	sshll.u32 s4, $0x1;
	s4 =	sadd.s32 s21, s2  }
0x9d: {  	[timem:s6], [sflag:s22] =	dma.local [hbm:s4], s20  }
0x9e: {  	_ =	swait.ge [sflag:s22], s20  }
0x9f: {  	s3 =	ssub.s32 $0x0, s20;
	[sflag:s22] =	ssyncset.done $0x0  }
0xa0: {  	[sflag:s22] =	ssyncadd.s32 s3;
	_ =	sdelay $0x1  }
0xa1: {  	s23 =	simm.s32 $0x1B8B  }
0xa2: {  	_ =	swait.ge [sflag:s23], $0x1  }
0xa3: {  	[sflag:s23] =	ssyncset.done $0x0  }
0xa4: {  	s25 =	simm.s32 $0x1B8E;
	s24 =	sld [smem:$0x3FFE];
	[sflag:s23] =	ssyncadd.s32 $0xFFFFFFFF  }
0xa5: {  	s26 =	simm.s32 $execute0_lowered;
	[smem:$0x3FD2] =	sst s25  }
0xa6: {  	s4 =	sshll.u32 s26, $0x1;
	_ =	strace $0x80000046;
	[dreg:$0x1] =	wrdreg $0xFFFFFFFF  }
0xa7: {  	s28 =	simm.s32 $_size_execute0_lowered;
	s2 =	sadd.s32 s2, s4;
	[dreg:$0x0] =	wrdreg $0x0  }
0xa8: {  	s4 =	sshll.u32 s28, $0x1;
	[dreg:$0x2] =	wrdreg s2  }
0xa9: {  	[dreg:$0x3] =	wrdreg s4  }
0xaa: {  	[dreg:$0x4] =	wrdreg $0xC0  }
0xab: {  	_ =	task [dreg:s6], $0x5FFFF  }
0xac: {  	[dreg:$0x1] =	wrdreg $0xFFFFFFFF  }
0xad: {  	[dreg:$0x0] =	wrdreg $0x60  }
0xae: {  	[dreg:$0x2] =	wrdreg s24  }
0xaf: {  	[dreg:$0x3] =	wrdreg $0x2C000  }
0xb0: {  	[dreg:$0x4] =	wrdreg $0x800  }
0xb1: {  	[dreg:$0x5] =	wrdreg $0x9  }
0xb2: {  	_ =	task.clear_ibuf [dreg:s6], $0x6FFFF;
	_ =	strace $0x90000046  }
0xb3: {  	s29 =	simm.s32 $0x9;
	_ =	strace $0x80000048  }
0xb4: {  	_ =	swait.ge [sflag:s29], $0x1  }
0xb5: {  	[sflag:s29] =	ssyncadd.s32 $0xFFFFFFFF  }
0xb6: {  	_ =	strace $0x90000048  }
0xb7: {  	_ =	sfence  }
0xb8: {  	s30 =	sld [smem:$0x0];
	_ =	sdelay $0x2  }
0xb9: {  	s31 =	sshll.u32 s1, $0xD;
	s1 =	sshrl.u32 s1, $0x2  }
0xba: {  	s3 =	sand.u32 $0x4000, s31;
	s1 =	sadd.s32 s1, s30  }
0xbb: {  	s0 =	sor.u32 s3, s0;
	s1 =	sshll.u32 s1, $0x11  }
0xbc: {  	s0 =	sor.u32 s1, s0  }
0xbd: {  	s0 =	sadd.s32 $0x8F2B, s0  }
0xbe: {  	[sflag:s0] =	ssyncadd.remote.s32 $0x1  }
0xbf: {  	_ =	sfence.sel $0xFFFF  }
0xc0: {  	[dreg:$0x0] =	wrdreg $0xFFFFFFFF;
	(pc) =	sbr.abs _section_cstart, $3  }
0xc1: {  	[dreg:$0x1] =	wrdreg $0xFFFFFFFF  }
0xc2: {  	_ =	task.clear_ibuf [dreg:s6], $0x2FFFF;
	_ =	strace $0x9FFFFFFF  }
0xc3: {  	(tm) =	ssettm $0x7FFFFFFF  }
tec
execute0_lowered:
.L_overlay_start_1:
0x0: {  	(tag) =	ssettag $0x1  }
0x1: {  	s6 =	rddreg [dreg:$0x0]  }
0x2: {  	s0 =	srdreg.scid;
	s2 =	rddreg [dreg:$0x1]  }
0x3: {  	s3 =	rddreg [dreg:$0x2];
	s7 =	sand.u32 $0x1, s0  }
0x4: {  	s0 =	stileid.u32;
	s5 =	smul.u32 $0x27100, s7  }
0x5: {  	s1 =	rddreg [dreg:$0x3];
	s4 =	simm.s32 $0x0;
	s8 =	smul.u32 $0x2710, s0  }
0x6: {  	s17 =	simm.s32 $0x50;
	s18 =	simm.s32 $0x400;
	s26 =	smul.u32 $0x280, s0  }
0x7: {  	s19 =	simm.s32 $0x1;
	[smem:$0x7FF] =	sst s4;
	s20 =	smul.u32 $0x2800, s0  }
0x8: {  	s24 =	simm.s32 $0x0;
	_ =	strace $0x80000047;
	s12 =	smul.u32 $0x28000, s7  }
0x9: {  	s13 =	sshll.u32 s7, $0x4;
	s7 =	ssub.s32 $0x2, s7;
	s14 =	smul.u32 $0x50000, s0  }
0xa: {  	s31 =	sshll.u32 s0, $0x6;
	s23 =	smul.u32 $0xA0, s0;
	s13 =	sadd.s32 s13, s6  }
0xb: {  	s29 =	sshrl.u32 s7, $0x1;
	s5 =	sadd.s32 s8, s5;
	s28 =	sshrl.u32 s26, $0x3  }
0xc: {  	s10 =	sadd.s32 s20, s6;
	s12 =	sadd.s32 s12, s6;
	s15 =	ssub.s32 s7, s29  }
0xd: {  	s30 =	sshrl.u32 s14, $0x2;
	s7 =	sor.u32 $0x1C02, s31;
	s16 =	sadd.s32 s26, s3  }
0xe: {  	s22 =	sadd.s32 $0x68600, s13;
	s13 =	simm.s32 $0x2;
	s9 =	sshrl.u32 s5, $0x3  }
0xf: {  	s5 =	sadd.s32 $0x18000, s6;
	s14 =	sadd.s32 s30, s2;
	s21 =	sadd.s32 $0x69000, s12  }
0x10: {  	s11 =	sadd.s32 s9, s6;
	s9 =	sadd.s32 s28, s6;
	s6 =	sadd.s32 $0x40000, s10  }
0x11: {  	s12 =	sshrl.u32 s14, $0x3;
	s14 =	sshrl.u32 s16, $0x3;
	s16 =	simm.s32 $0x380  }
0x12: {  	s20 =	sadd.s32 s20, s21;
	s21 =	sadd.s32 s23, s22;
	s22 =	simm.s32 $0x20  }
0x13: {  	s23 =	simm.s32 $0x10;
	s8 =	sadd.s32 $0x68000, s9;
	s9 =	smax.u32 s15, $0x1  }
0x14: {  	v0 =	vimm.f32 $1.000000000e+00;
	s10 =	sadd.s32 $0x4400, s11;
	s11 =	sadd.s32 $0xE200, s11;
	s15 =	simm.s32 $0x300  }
.LBB2_1:
0x15: {  	[spmem:s12], [sflag:s7] =	dma.local [hbm:s6], $0x2800  }
0x16: {  	_ =	swait.ge [sflag:s13], $0x2800  }
0x17: {  	[sflag:s13] =	ssyncset.done $0x0  }
0x18: {  	[sflag:s13] =	ssyncadd.s32 $0xFFFFD800  }
0x19: {  	[spmem:s14], [sflag:s7] =	dma.local [hbm:s8], $0x50  }
0x1a: {  	_ =	swait.ge [sflag:s13], $0x50  }
0x1b: {  	[sflag:s13] =	ssyncset.done $0x0  }
0x1c: {  	[sflag:s13] =	ssyncadd.s32 $0xFFFFFFB0  }
0x1d: {  	[tilespmem:$0x0] =	vst v0  }
0x1e: {  	[tilespmem:$0x10] =	vst v0  }
0x1f: {  	[tilespmem:$0x20] =	vst v0  }
0x20: {  	[tilespmem:$0x30] =	vst v0  }
0x21: {  	[tilespmem:$0x40] =	vst v0  }
0x22: {  	s25 =	sadd.s32 $0x0, s11;
	[bflag:$0x0] =	sbarrier.arrive $0xFFFF  }
0x23: {  	[tilespmem:s15], [sflag:$0x2] =	stream.linear.gather [hbm4b:s25+s4], $0x50, $0x38;
	[tilespmem:$0x16C00] =	vst v63  }
0x24: {  	_ =	swait.ge [sflag:s13], $0x50  }
0x25: {  	[sflag:s13] =	ssyncset.done $0x0  }
0x26: {  	s31 =	sadd.s32 $0x0, s10;
	[sflag:s13] =	ssyncadd.s32 $0xFFFFFFB0  }
0x27: {  	[tilespmem:s16], [sflag:$0x2] =	stream.linear.gather [hbm4b:s31+s4], $0x50, $0x38;
	[tilespmem:$0x16C00] =	vst v63  }
0x28: {  	_ =	swait.ge [sflag:s13], $0x50  }
0x29: {  	[sflag:s13] =	ssyncset.done $0x0  }
0x2a: {  	[sflag:s13] =	ssyncadd.s32 $0xFFFFFFB0  }
0x2b: {  	[tilespmem:s18], [sflag:$0x1] =	stream.indirect.gather [hbm4b:s5+s17], $0x80, s15, s17, $0xb8;
	[tilespmem:$0x16C00] =	vst v63  }
0x2c: {  	_ =	swait.ge [sflag:s19], $0x2800  }
0x2d: {  	[sflag:s19] =	ssyncset.done $0x0  }
0x2e: {  	[sflag:s19] =	ssyncadd.s32 $0xFFFFD800  }
0x2f: {  	[spmem:s2] =	stream.indirect.scatter.add.f32 [tilespmem:s18], [sflag:$0x2], $0x80, s16, s17, $0xb8;
	[tilespmem:$0x16C00] =	vst v63  }
0x30: {  	_ =	swait.ge [sflag:s13], $0x2800  }
0x31: {  	[sflag:s13] =	ssyncset.done $0x0  }
0x32: {  	[sflag:s13] =	ssyncadd.s32 $0xFFFFD800  }
0x33: {  	[spmem:s3] =	stream.indirect.scatter.add.f32 [tilespmem:s4], [sflag:$0x2], $0x1, s16, s17, $0xb8;
	[tilespmem:$0x16C00] =	vst v63  }
0x34: {  	_ =	swait.ge [sflag:s13], $0x50  }
0x35: {  	s26 =	simm.s32 $0x14;
	s25 =	simm.s32 $0xA;
	[sflag:s13] =	ssyncset.done $0x0  }
.LBB2_2:
0x36: {  	s28 =	sadd.s32 s25, s11  }
0x37: {  	[sflag:s13] =	ssyncadd.s32 $0xFFFFFFB0;
	s29 =	smov.u32 s26;
	s30 =	sadd.s32 $0xA, s26  }
0x38: {  	[tilespmem:s15], [sflag:$0x2] =	stream.linear.gather [hbm4b:s28+s4], $0x50, $0x38;
	[tilespmem:$0x16C00] =	vst v63  }
0x39: {  	p0 =	sne.s32 s26, $0x4D8;
	_ =	swait.ge [sflag:s13], $0x50  }
0x3a: {  	[sflag:s13] =	ssyncset.done $0x0  }
0x3b: {  	s26 =	sadd.s32 s25, s10;
	s25 =	smov.u32 s29;
	[sflag:s13] =	ssyncadd.s32 $0xFFFFFFB0  }
0x3c: {  	[tilespmem:s16], [sflag:$0x2] =	stream.linear.gather [hbm4b:s26+s4], $0x50, $0x38;
	[tilespmem:$0x16C00] =	vst v63  }
0x3d: {  	_ =	swait.ge [sflag:s13], $0x50  }
0x3e: {  	[sflag:s13] =	ssyncset.done $0x0  }
0x3f: {  	[sflag:s13] =	ssyncadd.s32 $0xFFFFFFB0  }
0x40: {  	[tilespmem:s18], [sflag:$0x1] =	stream.indirect.gather [hbm4b:s5+s17], $0x80, s15, s17, $0xb8;
	[tilespmem:$0x16C00] =	vst v63  }
0x41: {  	_ =	swait.ge [sflag:s19], $0x2800  }
0x42: {  	[sflag:s19] =	ssyncset.done $0x0  }
0x43: {  	[sflag:s19] =	ssyncadd.s32 $0xFFFFD800  }
0x44: {  	[spmem:s2] =	stream.indirect.scatter.add.f32 [tilespmem:s18], [sflag:$0x2], $0x80, s16, s17, $0xb8;
	[tilespmem:$0x16C00] =	vst v63  }
0x45: {  	_ =	swait.ge [sflag:s13], $0x2800  }
.Ltmp0:
0x46: {  	[sflag:s13] =	ssyncset.done $0x0;
	(pc) =	sbr.rel @p0 .LBB2_2-.Ltmp0, $4  }
0x47: {  	[sflag:s13] =	ssyncadd.s32 $0xFFFFD800  }
0x48: {  	[spmem:s3] =	stream.indirect.scatter.add.f32 [tilespmem:s4], [sflag:$0x2], $0x1, s16, s17, $0xb8;
	[tilespmem:$0x16C00] =	vst v63  }
0x49: {  	_ =	swait.ge [sflag:s13], $0x50  }
0x4a: {  	s26 =	smov.u32 s30;
	[sflag:s13] =	ssyncset.done $0x0  }
0x4b: {  	s26 =	sadd.s32 s25, s11;
	[sflag:s13] =	ssyncadd.s32 $0xFFFFFFB0  }
0x4c: {  	[tilespmem:s15], [sflag:$0x2] =	stream.linear.gather [hbm4b:s26+s4], $0x50, $0x38;
	[tilespmem:$0x16C00] =	vst v63  }
0x4d: {  	_ =	swait.ge [sflag:s13], $0x50  }
0x4e: {  	[sflag:s13] =	ssyncset.done $0x0  }
0x4f: {  	s31 =	sadd.s32 s25, s10;
	[sflag:s13] =	ssyncadd.s32 $0xFFFFFFB0  }
0x50: {  	[tilespmem:s16], [sflag:$0x2] =	stream.linear.gather [hbm4b:s31+s4], $0x50, $0x38;
	[tilespmem:$0x16C00] =	vst v63  }
0x51: {  	_ =	swait.ge [sflag:s13], $0x50  }
0x52: {  	[sflag:s13] =	ssyncset.done $0x0  }
0x53: {  	[sflag:s13] =	ssyncadd.s32 $0xFFFFFFB0  }
0x54: {  	[tilespmem:s18], [sflag:$0x1] =	stream.indirect.gather [hbm4b:s5+s17], $0x80, s15, s17, $0xb8;
	[tilespmem:$0x16C00] =	vst v63  }
0x55: {  	_ =	swait.ge [sflag:s19], $0x2800  }
0x56: {  	[sflag:s19] =	ssyncset.done $0x0  }
0x57: {  	[sflag:s19] =	ssyncadd.s32 $0xFFFFD800  }
0x58: {  	[spmem:s2] =	stream.indirect.scatter.add.f32 [tilespmem:s18], [sflag:$0x2], $0x80, s16, s17, $0xb8;
	[tilespmem:$0x16C00] =	vst v63  }
0x59: {  	_ =	swait.ge [sflag:s13], $0x2800  }
0x5a: {  	[sflag:s13] =	ssyncset.done $0x0  }
0x5b: {  	[sflag:s13] =	ssyncadd.s32 $0xFFFFD800  }
0x5c: {  	[spmem:s3] =	stream.indirect.scatter.add.f32 [tilespmem:s4], [sflag:$0x2], $0x1, s16, s17, $0xb8;
	[tilespmem:$0x16C00] =	vst v63  }
0x5d: {  	_ =	swait.ge [sflag:s13], $0x50  }
0x5e: {  	[sflag:s13] =	ssyncset.done $0x0  }
0x5f: {  	[sflag:s13] =	ssyncadd.s32 $0xFFFFFFB0  }
0x60: {  	[bflag:$0x0] =	sbarrier.arrive $0xFFFF  }
0x61: {  	[hbm:s20], [sflag:s7] =	dma.local [spmem:s12], $0x2800  }
0x62: {  	s24 =	sadd.s32 $0x1, s24;
	_ =	swait.ge [sflag:s13], $0x2800  }
0x63: {  	p0 =	sne.s32 s24, s9;
	[sflag:s13] =	ssyncset.done $0x0  }
.Ltmp1:
0x64: {  	[sflag:s13] =	ssyncadd.s32 $0xFFFFD800;
	(pc) =	sbr.rel @p0 .LBB2_1-.Ltmp1, $4  }
0x65: {  	[hbm:s21@s22], [sflag:s7] =	dma.strided [spmem:s14@s23], $0x50, s19, $0x10   }
0x66: {  	_ =	swait.ge [sflag:s13], $0x50  }
0x67: {  	[sflag:s13] =	ssyncset.done $0x0  }
0x68: {  	[sflag:s13] =	ssyncadd.s32 $0xFFFFFFB0  }
0x69: {  	_ =	sfence.sel $0x180000  }
0x6a: {  	[bflag:$0x0] =	sbarrier.arrive $0xFFFF  }
0x6b: {  	p0 =	sne.s32 s0, $0x0;
	_ =	strace $0x90000047  }
0x6c: {  	s0 =	sadd.s32 @!p0 $0x100000, s1;
	[bflag:$0x2] =	sbarrier.arrive $0xFFFF  }
0x6d: {  	[sflag:s0] =	ssyncadd.tile.s32 @!p0 $0x1;
	_ =	shalt  }
.Lfunc_end2:
_tile_overlayer_lowered:
.L_overlay_start_2:
0x6e: {  	(tag) =	ssettag $0x2  }
0x6f: {  	s0 =	rddreg [dreg:$0x0];
	s2 =	stileid.u32  }
0x70: {  	s1 =	rddreg [dreg:$0x1];
	p0 =	sne.s32 s2, $0x0  }
0x71: {  	s3 =	rddreg [dreg:$0x2];
	[bflag:$0x3] =	sbarrier.arrive $0xFFFF;
	s2 =	simm.s32 @!p0 $0x1C02  }
0x72: {  	[timem:s3], [sflag:s2] =	dma.local @!p0 [hbm:s0], s1  }
0x73: {  	s0 =	simm.s32 @!p0 $0x2  }
0x74: {  	_ =	swait.ge @!p0 [sflag:s0], s1  }
0x75: {  	s1 =	ssub.s32 @!p0 $0x0, s1;
	[sflag:s0] =	ssyncset.done @!p0 $0x0  }
0x76: {  	[sflag:s0] =	ssyncadd.s32 @!p0 s1  }
0x77: {  	[bflag:$0x3] =	sbarrier.arrive $0xFFFF  }
0x78: {  	_ =	shalt  }

</sc_bundles>
